<compile_context>
chip_gen: v7x
topology: tpu7x:2x2x1
jax: 0.10.2.dev20260603
libtpu: 0.0.44.dev20260713+nightly
codegen_flags: <defaults>
</compile_context>

<pallas_src>
import functools

import jax
import jax.numpy as jnp
import numpy as np
from jax import lax
from jax.experimental import pallas as pl
from jax.experimental.pallas import tpu as pltpu
from jax.experimental.pallas import tpu_sc as plsc

N = 10000
E = 320000
F_IN = 128
HID = 8
OUT = 2

NC = 2
NS = 16
C = 128
CH = 81
R = 3
NG = CH // R
EPT = CH * C
EPAD = NC * NS * EPT
EPT_D = E // (NC * NS)
CD = 200
CHD = EPT_D // CD
NP = 10240
RPT = NP // NS
PR = NP // 16
BLK = 1024

_S_np = np.zeros((8, 128, 128), np.float32)
for _a in range(8):
    for _l in range(128):
        _S_np[_a, 16 * _a + _l // 8, _l] = 1.0
_P_np = np.zeros((8, PR, 80), np.float32)
for _a in range(8):
    for _q in range(80):
        _P_np[_a, 8 * _q + _a, _q] = 1.0


def _mesh():
    return plsc.VectorSubcoreMesh(
        core_axis_name="c", subcore_axis_name="s",
        num_cores=NC, num_subcores=NS)


@functools.partial(
    pl.kernel,
    out_type=jax.ShapeDtypeStruct((NC, NP), jnp.float32),
    mesh=_mesh(),
    compiler_params=pltpu.CompilerParams(use_tc_tiling_on_sc=False),
    scratch_types=[
        pltpu.VMEM((CHD, CD), jnp.int32),
        pltpu.VMEM((CD,), jnp.float32),
        pltpu.VMEM((RPT,), jnp.float32),
        pltpu.VMEM_SHARED((NP,), jnp.float32),
    ],
)
def _sc_degree(dstp, onesc, zrow, out, idx_v, ones_v, row_v, acc_sh):
    c = lax.axis_index("c")
    s = lax.axis_index("s")
    pltpu.sync_copy(dstp.at[c, s], idx_v)
    pltpu.sync_copy(onesc, ones_v)
    pltpu.sync_copy(zrow, row_v)
    pltpu.sync_copy(row_v, acc_sh.at[pl.ds(s * RPT, RPT)])
    plsc.subcore_barrier()

    def body(j, carry):
        pltpu.sync_copy(ones_v, acc_sh.at[idx_v.at[j]], add=True)
        return carry

    lax.fori_loop(0, CHD, body, 0)
    plsc.subcore_barrier()
    pltpu.sync_copy(acc_sh.at[pl.ds(s * RPT, RPT)], row_v)
    pltpu.sync_copy(row_v, out.at[c, pl.ds(s * RPT, RPT)])


@functools.partial(
    pl.kernel,
    out_type=jax.ShapeDtypeStruct((NC, NP, HID), jnp.float32),
    mesh=_mesh(),
    compiler_params=pltpu.CompilerParams(use_tc_tiling_on_sc=False),
    scratch_types=[
        pltpu.VMEM((CH, C), jnp.int32),
        pltpu.VMEM((CH, C), jnp.int32),
        pltpu.VMEM((R, C, HID), jnp.float32),
        pltpu.VMEM((RPT, HID), jnp.float32),
        pltpu.VMEM_SHARED((NP, HID), jnp.float32),
    ] + [pltpu.SemaphoreType.DMA] * R,
)
def _sc_agg(srcp, dstp, g, zrow, out,
            src_v, dst_v, rows_v, buf_v, acc_sh, *sems):
    c = lax.axis_index("c")
    s = lax.axis_index("s")
    pltpu.sync_copy(srcp.at[c, s], src_v)
    pltpu.sync_copy(dstp.at[c, s], dst_v)
    for b in range(R):
        pltpu.async_copy(g.at[src_v.at[b]], rows_v.at[b], sems[b])
    pltpu.sync_copy(zrow, buf_v)
    pltpu.sync_copy(buf_v, acc_sh.at[pl.ds(s * RPT, RPT)])
    plsc.subcore_barrier()

    def body(gi, carry):
        for b in range(R):
            j = gi * R + b
            pltpu.make_async_copy(
                g.at[src_v.at[b]], rows_v.at[b], sems[b]).wait()
            pltpu.sync_copy(rows_v.at[b], acc_sh.at[dst_v.at[j]], add=True)
            pltpu.async_copy(g.at[src_v.at[j + R]], rows_v.at[b], sems[b])
        return carry

    lax.fori_loop(0, NG - 1, body, 0)
    for b in range(R):
        j = (NG - 1) * R + b
        pltpu.make_async_copy(
            g.at[src_v.at[b]], rows_v.at[b], sems[b]).wait()
        pltpu.sync_copy(rows_v.at[b], acc_sh.at[dst_v.at[j]], add=True)
    plsc.subcore_barrier()
    pltpu.sync_copy(acc_sh.at[pl.ds(s * RPT, RPT)], buf_v)
    pltpu.sync_copy(buf_v, out.at[c, pl.ds(s * RPT, RPT)])


def _tc1_body(x_ref, w1_ref, degn_ref, g1_ref):
    deg = degn_ref[0, :] + degn_ref[1, :] + 1.0
    dinv = lax.rsqrt(deg)[:, None]
    h = jnp.dot(x_ref[...], w1_ref[...],
                preferred_element_type=jnp.float32)
    g1_ref[...] = h * dinv


def _tc1(x, w1, degn):
    return pl.pallas_call(
        _tc1_body,
        grid=(NP // BLK,),
        in_specs=[
            pl.BlockSpec((BLK, F_IN), lambda i: (i, 0)),
            pl.BlockSpec((F_IN, HID), lambda i: (0, 0)),
            pl.BlockSpec((NC, BLK), lambda i: (0, i)),
        ],
        out_specs=pl.BlockSpec((BLK, HID), lambda i: (i, 0)),
        out_shape=jax.ShapeDtypeStruct((NP, HID), jnp.float32),
    )(x, w1, degn)


def _tcdw_body(degv_ref, p_ref, s_ref, dw_ref):
    dv = lax.rsqrt(degv_ref[0] + degv_ref[1] + 1.0)
    acc = jnp.zeros((PR, 128), jnp.float32)
    for a in range(8):
        y = jnp.dot(dv, s_ref[a], preferred_element_type=jnp.float32)
        acc = acc + jnp.dot(p_ref[a], y, preferred_element_type=jnp.float32)
    dw_ref[...] = acc


def _tcdw(degv, pmat, smat):
    return pl.pallas_call(
        _tcdw_body,
        in_specs=[
            pl.BlockSpec((NC, 80, 128), lambda: (0, 0, 0)),
            pl.BlockSpec((8, PR, 80), lambda: (0, 0, 0)),
            pl.BlockSpec((8, 128, 128), lambda: (0, 0, 0)),
        ],
        out_specs=pl.BlockSpec((PR, 128), lambda: (0, 0)),
        out_shape=jax.ShapeDtypeStruct((PR, 128), jnp.float32),
    )(degv, pmat, smat)


def _tc2_body(p1_ref, dw_ref, b1_ref, w2_ref, g2_ref):
    dw = dw_ref[...]
    h = jnp.maximum((p1_ref[0] + p1_ref[1]) * dw + b1_ref[...], 0.0)
    h2 = jnp.dot(h, w2_ref[...], preferred_element_type=jnp.float32)
    g2_ref[...] = h2 * dw


def _tc2(p1, dw, b1t, w2bd):
    return pl.pallas_call(
        _tc2_body,
        in_specs=[
            pl.BlockSpec((NC, PR, 128), lambda: (0, 0, 0)),
            pl.BlockSpec((PR, 128), lambda: (0, 0)),
            pl.BlockSpec((1, 128), lambda: (0, 0)),
            pl.BlockSpec((128, 128), lambda: (0, 0)),
        ],
        out_specs=pl.BlockSpec((PR, 128), lambda: (0, 0)),
        out_shape=jax.ShapeDtypeStruct((PR, 128), jnp.float32),
    )(p1, dw, b1t, w2bd)


def _tc3_body(p2_ref, dw_ref, b2_ref, z_ref):
    z_ref[...] = (p2_ref[0] + p2_ref[1]) * dw_ref[...] + b2_ref[...]


def _tc3(p2, dw, b2t):
    return pl.pallas_call(
        _tc3_body,
        in_specs=[
            pl.BlockSpec((NC, PR, 128), lambda: (0, 0, 0)),
            pl.BlockSpec((PR, 128), lambda: (0, 0)),
            pl.BlockSpec((1, 128), lambda: (0, 0)),
        ],
        out_specs=pl.BlockSpec((PR, 128), lambda: (0, 0)),
        out_shape=jax.ShapeDtypeStruct((PR, 128), jnp.float32),
    )(p2, dw, b2t)


def kernel(x, edge_index, W1, b1, W2, b2):
    f32 = jnp.float32
    src = edge_index[0].astype(jnp.int32)
    dst = edge_index[1].astype(jnp.int32)
    loop = jnp.arange(N, dtype=jnp.int32)
    npad = EPAD - E - N
    padi = N + jnp.arange(npad, dtype=jnp.int32) % (NP - N)
    padd = padi
    srcp = jnp.concatenate([src, loop, padi]).reshape(NC, NS, CH, C)
    dstp = jnp.concatenate([dst, loop, padd]).reshape(NC, NS, CH, C)

    onesc = jnp.ones((CD,), f32)
    degp = _sc_degree(dst.reshape(NC, NS, CHD, CD), onesc,
                      jnp.zeros((RPT,), f32))
    degv = degp.reshape(NC, 80, 128)

    g1 = _tc1(x.astype(f32), W1.astype(f32), degp)

    zrow8 = jnp.zeros((RPT, HID), f32)
    p1 = _sc_agg(srcp, dstp, g1, zrow8)
    dw = _tcdw(degv, jnp.asarray(_P_np), jnp.asarray(_S_np))

    w2pad = jnp.zeros((HID, HID), f32).at[:, :OUT].set(W2.astype(f32))
    eye16 = jnp.eye(16, dtype=f32)
    w2bd = jnp.reshape(
        eye16[:, None, :, None] * w2pad[None, :, None, :], (128, 128))
    b1t = jnp.tile(b1.astype(f32), 16).reshape(1, 128)
    b2pad = jnp.zeros((HID,), f32).at[:OUT].set(b2.astype(f32))
    b2t = jnp.tile(b2pad, 16).reshape(1, 128)

    g2 = _tc2(p1.reshape(NC, PR, 128), dw, b1t, w2bd)
    p2 = _sc_agg(srcp, dstp, g2.reshape(NP, HID), zrow8)
    zpk = _tc3(p2.reshape(NC, PR, 128), dw, b2t)
    return zpk.reshape(NP, HID)[:N, :OUT]

# --- scband reference (transcript-rebuilt; emitter-appended) ---
"""Pipeline reference for scband-net-25752623907118 (READ-ONLY COPY).

The authoritative reference and input builder live on the scoring server;
editing this copy changes nothing except your own understanding.
"""

import jax, jax.numpy as jnp
import numpy as np

N = 10000
E = 320000
F_IN = 128
HID = 8
OUT = 2


def setup_inputs(seed: int = 0) -> dict:
    key = jax.random.key(seed)
    k1, k2, k3, k4 = jax.random.split(key, 4)
    x = jax.random.normal(k1, (N, F_IN), dtype=jnp.float32)
    edge_index = jax.random.randint(k2, (2, E), 0, N)
    W1 = jax.random.normal(k3, (F_IN, HID), dtype=jnp.float32) * (1.0 / np.sqrt(F_IN))
    b1 = jnp.zeros((HID,), dtype=jnp.float32)
    W2 = jax.random.normal(k4, (HID, OUT), dtype=jnp.float32) * (1.0 / np.sqrt(HID))
    b2 = jnp.zeros((OUT,), dtype=jnp.float32)
    return {"x": x, "edge_index": edge_index, "W1": W1, "b1": b1, "W2": W2, "b2": b2}


def _gcn_conv(x, edge_index, W, b):
    # GCNConv: add self-loops, symmetric normalization, linear transform, scatter-add aggregation
    n = x.shape[0]
    src = edge_index[0]
    dst = edge_index[1]
    loop = jnp.arange(n, dtype=src.dtype)
    src = jnp.concatenate([src, loop])
    dst = jnp.concatenate([dst, loop])
    deg = jnp.zeros((n,), dtype=x.dtype).at[dst].add(1.0)
    deg_inv_sqrt = jnp.where(deg > 0, 1.0 / jnp.sqrt(deg), 0.0)
    norm = deg_inv_sqrt[src] * deg_inv_sqrt[dst]
    h = x @ W
    msg = h[src] * norm[:, None]
    out = jnp.zeros((n, h.shape[1]), dtype=h.dtype).at[dst].add(msg)
    return out + b


def reference(x, edge_index, W1, b1, W2, b2):
    # Net.encode: conv1 -> relu -> conv2
    h = _gcn_conv(x, edge_index, W1, b1)
    h = jax.nn.relu(h)
    z = _gcn_conv(h, edge_index, W2, b2)
    return z

if __name__ == "__main__":
    import jax
    _d = setup_inputs()
    print(jax.jit(kernel)(*tuple(_d.values())))

</pallas_src>

<mosaic_0001>
#map = affine_map<(d0, d1) -> (0, 0, 0, 0)>
#map1 = affine_map<(d0, d1) -> (0, 0)>
#map2 = affine_map<(d0, d1) -> (0, 0, 0)>
module attributes {stable_mosaic.version = 14 : i64} {
  func.func @_sc_agg(%arg0: i32, %arg1: i32, %arg2: memref<2x16x81x128xi32, #tpu.memory_space<hbm>>, %arg3: memref<2x16x81x128xi32, #tpu.memory_space<hbm>>, %arg4: memref<10240x8xf32, #tpu.memory_space<hbm>>, %arg5: memref<640x8xf32, #tpu.memory_space<hbm>>, %arg6: memref<2x10240x8xf32, #tpu.memory_space<hbm>>, %arg7: memref<81x128xi32, #tpu.memory_space<vmem>>, %arg8: memref<81x128xi32, #tpu.memory_space<vmem>>, %arg9: memref<3x128x8xf32, #tpu.memory_space<vmem>>, %arg10: memref<640x8xf32, #tpu.memory_space<vmem>>, %arg11: memref<10240x8xf32, #tpu.memory_space<vmem_shared>>, %arg12: memref<!tpu.dma_semaphore, #tpu.memory_space<semaphore_mem>>, %arg13: memref<!tpu.dma_semaphore, #tpu.memory_space<semaphore_mem>>, %arg14: memref<!tpu.dma_semaphore, #tpu.memory_space<semaphore_mem>>) attributes {dimension_semantics = [#tpu.dimension_semantics<core_parallel>, #tpu.dimension_semantics<subcore_parallel>], iteration_bounds = array<i64: 2, 16>, scalar_prefetch = 0 : i64, scratch_operands = 8 : i64, tpu.core_type = #tpu.core_type<sc_vector_subcore>, window_params = [{transform_indices = #map}, {transform_indices = #map}, {transform_indices = #map1}, {transform_indices = #map1}, {transform_indices = #map2}]} {
    "tpu.region"() ({
      %run_scoped3A_86 = tpu.sem_alloc : memref<!tpu.dma_semaphore, #tpu.memory_space<semaphore_mem>>
      %dma_start3A_87 = arith.constant 0 : i32
      %dma_start3A_88 = arith.constant 0 : i32
      %dma_start3A_89 = tpu.memref_slice %arg2[%arg0, %arg1, %dma_start3A_87, %dma_start3A_88] : memref<2x16x81x128xi32, #tpu.memory_space<hbm>> -> memref<1x1x81x128xi32, #tpu.memory_space<hbm>>
      %dma_start3A_90 = tpu.memref_squeeze %dma_start3A_89 : memref<1x1x81x128xi32, #tpu.memory_space<hbm>> -> memref<81x128xi32, #tpu.memory_space<hbm>>
      %dma_start3A_91 = arith.constant 0 : i32
      %dma_start3A_92 = arith.constant 0 : i32
      %dma_start3A_93 = tpu.memref_slice %arg2[%arg0, %arg1, %dma_start3A_91, %dma_start3A_92] : memref<2x16x81x128xi32, #tpu.memory_space<hbm>> -> memref<1x1x81x128xi32, #tpu.memory_space<hbm>>
      %dma_start3A_94 = tpu.memref_squeeze %dma_start3A_93 : memref<1x1x81x128xi32, #tpu.memory_space<hbm>> -> memref<81x128xi32, #tpu.memory_space<hbm>>
      tpu.enqueue_dma source(%dma_start3A_94 : memref<81x128xi32, #tpu.memory_space<hbm>>) target(%arg7 : memref<81x128xi32, #tpu.memory_space<vmem>>) target_semaphore(%run_scoped3A_86 : memref<!tpu.dma_semaphore, #tpu.memory_space<semaphore_mem>>)
      %dma_wait3A_95 = arith.constant 0 : i32
      %dma_wait3A_96 = arith.constant 0 : i32
      %dma_wait3A_97 = tpu.memref_slice %arg2[%arg0, %arg1, %dma_wait3A_95, %dma_wait3A_96] : memref<2x16x81x128xi32, #tpu.memory_space<hbm>> -> memref<1x1x81x128xi32, #tpu.memory_space<hbm>>
      %dma_wait3A_98 = tpu.memref_squeeze %dma_wait3A_97 : memref<1x1x81x128xi32, #tpu.memory_space<hbm>> -> memref<81x128xi32, #tpu.memory_space<hbm>>
      %dma_wait3A_99 = arith.constant 0 : i32
      %dma_wait3A_100 = arith.constant 0 : i32
      %dma_wait3A_101 = tpu.memref_slice %arg2[%arg0, %arg1, %dma_wait3A_99, %dma_wait3A_100] : memref<2x16x81x128xi32, #tpu.memory_space<hbm>> -> memref<1x1x81x128xi32, #tpu.memory_space<hbm>>
      %dma_wait3A_102 = tpu.memref_squeeze %dma_wait3A_101 : memref<1x1x81x128xi32, #tpu.memory_space<hbm>> -> memref<81x128xi32, #tpu.memory_space<hbm>>
      tpu.wait_dma2 semaphore(%run_scoped3A_86 : memref<!tpu.dma_semaphore, #tpu.memory_space<semaphore_mem>>) src(%dma_wait3A_102 : memref<81x128xi32, #tpu.memory_space<hbm>>) dst(%arg7 : memref<81x128xi32, #tpu.memory_space<vmem>>)
      tpu.yield
    }) : () -> ()
    "tpu.region"() ({
      %run_scoped3A_86 = tpu.sem_alloc : memref<!tpu.dma_semaphore, #tpu.memory_space<semaphore_mem>>
      %dma_start3A_87 = arith.constant 0 : i32
      %dma_start3A_88 = arith.constant 0 : i32
      %dma_start3A_89 = tpu.memref_slice %arg3[%arg0, %arg1, %dma_start3A_87, %dma_start3A_88] : memref<2x16x81x128xi32, #tpu.memory_space<hbm>> -> memref<1x1x81x128xi32, #tpu.memory_space<hbm>>
      %dma_start3A_90 = tpu.memref_squeeze %dma_start3A_89 : memref<1x1x81x128xi32, #tpu.memory_space<hbm>> -> memref<81x128xi32, #tpu.memory_space<hbm>>
      %dma_start3A_91 = arith.constant 0 : i32
      %dma_start3A_92 = arith.constant 0 : i32
      %dma_start3A_93 = tpu.memref_slice %arg3[%arg0, %arg1, %dma_start3A_91, %dma_start3A_92] : memref<2x16x81x128xi32, #tpu.memory_space<hbm>> -> memref<1x1x81x128xi32, #tpu.memory_space<hbm>>
      %dma_start3A_94 = tpu.memref_squeeze %dma_start3A_93 : memref<1x1x81x128xi32, #tpu.memory_space<hbm>> -> memref<81x128xi32, #tpu.memory_space<hbm>>
      tpu.enqueue_dma source(%dma_start3A_94 : memref<81x128xi32, #tpu.memory_space<hbm>>) target(%arg8 : memref<81x128xi32, #tpu.memory_space<vmem>>) target_semaphore(%run_scoped3A_86 : memref<!tpu.dma_semaphore, #tpu.memory_space<semaphore_mem>>)
      %dma_wait3A_95 = arith.constant 0 : i32
      %dma_wait3A_96 = arith.constant 0 : i32
      %dma_wait3A_97 = tpu.memref_slice %arg3[%arg0, %arg1, %dma_wait3A_95, %dma_wait3A_96] : memref<2x16x81x128xi32, #tpu.memory_space<hbm>> -> memref<1x1x81x128xi32, #tpu.memory_space<hbm>>
      %dma_wait3A_98 = tpu.memref_squeeze %dma_wait3A_97 : memref<1x1x81x128xi32, #tpu.memory_space<hbm>> -> memref<81x128xi32, #tpu.memory_space<hbm>>
      %dma_wait3A_99 = arith.constant 0 : i32
      %dma_wait3A_100 = arith.constant 0 : i32
      %dma_wait3A_101 = tpu.memref_slice %arg3[%arg0, %arg1, %dma_wait3A_99, %dma_wait3A_100] : memref<2x16x81x128xi32, #tpu.memory_space<hbm>> -> memref<1x1x81x128xi32, #tpu.memory_space<hbm>>
      %dma_wait3A_102 = tpu.memref_squeeze %dma_wait3A_101 : memref<1x1x81x128xi32, #tpu.memory_space<hbm>> -> memref<81x128xi32, #tpu.memory_space<hbm>>
      tpu.wait_dma2 semaphore(%run_scoped3A_86 : memref<!tpu.dma_semaphore, #tpu.memory_space<semaphore_mem>>) src(%dma_wait3A_102 : memref<81x128xi32, #tpu.memory_space<hbm>>) dst(%arg8 : memref<81x128xi32, #tpu.memory_space<vmem>>)
      tpu.yield
    }) : () -> ()
    %dma_start3A = arith.constant 0 : i32
    %dma_start3A_0 = arith.constant 0 : i32
    %dma_start3A_1 = arith.constant 0 : i32
    %dma_start3A_2 = arith.constant 0 : i32
    %dma_start3A_3 = tpu.memref_slice %arg9[%dma_start3A_0, %dma_start3A_1, %dma_start3A_2] : memref<3x128x8xf32, #tpu.memory_space<vmem>> -> memref<1x128x8xf32, #tpu.memory_space<vmem>>
    %dma_start3A_4 = tpu.memref_squeeze %dma_start3A_3 : memref<1x128x8xf32, #tpu.memory_space<vmem>> -> memref<128x8xf32, #tpu.memory_space<vmem>>
    %dma_start3A_5 = arith.constant 0 : i32
    %dma_start3A_6 = tpu.memref_slice %arg7[%dma_start3A, %dma_start3A_5] : memref<81x128xi32, #tpu.memory_space<vmem>> -> memref<1x128xi32, #tpu.memory_space<vmem>>
    %dma_start3A_7 = tpu.memref_squeeze %dma_start3A_6 : memref<1x128xi32, #tpu.memory_space<vmem>> -> memref<128xi32, #tpu.memory_space<vmem>>
    %dma_start3A_8 = arith.constant 0 : i32
    %dma_start3A_9 = arith.constant 0 : i32
    %dma_start3A_10 = tpu.memref_slice %arg4[%dma_start3A_8, %dma_start3A_9] : memref<10240x8xf32, #tpu.memory_space<hbm>> -> memref<10240x8xf32, #tpu.memory_space<hbm>>
    tpu.enqueue_indirect_dma source(%dma_start3A_10 : memref<10240x8xf32, #tpu.memory_space<hbm>>) target(%dma_start3A_4 : memref<128x8xf32, #tpu.memory_space<vmem>>) offsets(%dma_start3A_7 : memref<128xi32, #tpu.memory_space<vmem>>) semaphore(%arg12 : memref<!tpu.dma_semaphore, #tpu.memory_space<semaphore_mem>>)
    %dma_start3A_11 = arith.constant 1 : i32
    %dma_start3A_12 = arith.constant 1 : i32
    %dma_start3A_13 = arith.constant 0 : i32
    %dma_start3A_14 = arith.constant 0 : i32
    %dma_start3A_15 = tpu.memref_slice %arg9[%dma_start3A_12, %dma_start3A_13, %dma_start3A_14] : memref<3x128x8xf32, #tpu.memory_space<vmem>> -> memref<1x128x8xf32, #tpu.memory_space<vmem>>
    %dma_start3A_16 = tpu.memref_squeeze %dma_start3A_15 : memref<1x128x8xf32, #tpu.memory_space<vmem>> -> memref<128x8xf32, #tpu.memory_space<vmem>>
    %dma_start3A_17 = arith.constant 0 : i32
    %dma_start3A_18 = tpu.memref_slice %arg7[%dma_start3A_11, %dma_start3A_17] : memref<81x128xi32, #tpu.memory_space<vmem>> -> memref<1x128xi32, #tpu.memory_space<vmem>>
    %dma_start3A_19 = tpu.memref_squeeze %dma_start3A_18 : memref<1x128xi32, #tpu.memory_space<vmem>> -> memref<128xi32, #tpu.memory_space<vmem>>
    %dma_start3A_20 = arith.constant 0 : i32
    %dma_start3A_21 = arith.constant 0 : i32
    %dma_start3A_22 = tpu.memref_slice %arg4[%dma_start3A_20, %dma_start3A_21] : memref<10240x8xf32, #tpu.memory_space<hbm>> -> memref<10240x8xf32, #tpu.memory_space<hbm>>
    tpu.enqueue_indirect_dma source(%dma_start3A_22 : memref<10240x8xf32, #tpu.memory_space<hbm>>) target(%dma_start3A_16 : memref<128x8xf32, #tpu.memory_space<vmem>>) offsets(%dma_start3A_19 : memref<128xi32, #tpu.memory_space<vmem>>) semaphore(%arg13 : memref<!tpu.dma_semaphore, #tpu.memory_space<semaphore_mem>>)
    %dma_start3A_23 = arith.constant 2 : i32
    %dma_start3A_24 = arith.constant 2 : i32
    %dma_start3A_25 = arith.constant 0 : i32
    %dma_start3A_26 = arith.constant 0 : i32
    %dma_start3A_27 = tpu.memref_slice %arg9[%dma_start3A_24, %dma_start3A_25, %dma_start3A_26] : memref<3x128x8xf32, #tpu.memory_space<vmem>> -> memref<1x128x8xf32, #tpu.memory_space<vmem>>
    %dma_start3A_28 = tpu.memref_squeeze %dma_start3A_27 : memref<1x128x8xf32, #tpu.memory_space<vmem>> -> memref<128x8xf32, #tpu.memory_space<vmem>>
    %dma_start3A_29 = arith.constant 0 : i32
    %dma_start3A_30 = tpu.memref_slice %arg7[%dma_start3A_23, %dma_start3A_29] : memref<81x128xi32, #tpu.memory_space<vmem>> -> memref<1x128xi32, #tpu.memory_space<vmem>>
    %dma_start3A_31 = tpu.memref_squeeze %dma_start3A_30 : memref<1x128xi32, #tpu.memory_space<vmem>> -> memref<128xi32, #tpu.memory_space<vmem>>
    %dma_start3A_32 = arith.constant 0 : i32
    %dma_start3A_33 = arith.constant 0 : i32
    %dma_start3A_34 = tpu.memref_slice %arg4[%dma_start3A_32, %dma_start3A_33] : memref<10240x8xf32, #tpu.memory_space<hbm>> -> memref<10240x8xf32, #tpu.memory_space<hbm>>
    tpu.enqueue_indirect_dma source(%dma_start3A_34 : memref<10240x8xf32, #tpu.memory_space<hbm>>) target(%dma_start3A_28 : memref<128x8xf32, #tpu.memory_space<vmem>>) offsets(%dma_start3A_31 : memref<128xi32, #tpu.memory_space<vmem>>) semaphore(%arg14 : memref<!tpu.dma_semaphore, #tpu.memory_space<semaphore_mem>>)
    "tpu.region"() ({
      %run_scoped3A_86 = tpu.sem_alloc : memref<!tpu.dma_semaphore, #tpu.memory_space<semaphore_mem>>
      tpu.enqueue_dma source(%arg5 : memref<640x8xf32, #tpu.memory_space<hbm>>) target(%arg10 : memref<640x8xf32, #tpu.memory_space<vmem>>) target_semaphore(%run_scoped3A_86 : memref<!tpu.dma_semaphore, #tpu.memory_space<semaphore_mem>>)
      tpu.wait_dma2 semaphore(%run_scoped3A_86 : memref<!tpu.dma_semaphore, #tpu.memory_space<semaphore_mem>>) src(%arg5 : memref<640x8xf32, #tpu.memory_space<hbm>>) dst(%arg10 : memref<640x8xf32, #tpu.memory_space<vmem>>)
      tpu.yield
    }) : () -> ()
    %mul3A = arith.constant 640 : i32
    %mul3A_35 = arith.muli %arg1, %mul3A : i32
    "tpu.region"() ({
      %run_scoped3A_86 = tpu.sem_alloc : memref<!tpu.dma_semaphore, #tpu.memory_space<semaphore_mem>>
      %dma_start3A_87 = arith.constant 0 : i32
      %dma_start3A_88 = tpu.memref_slice %arg11[%mul3A_35, %dma_start3A_87] : memref<10240x8xf32, #tpu.memory_space<vmem_shared>> -> memref<640x8xf32, #tpu.memory_space<vmem_shared>>
      %dma_start3A_89 = arith.constant 0 : i32
      %dma_start3A_90 = tpu.memref_slice %arg11[%mul3A_35, %dma_start3A_89] : memref<10240x8xf32, #tpu.memory_space<vmem_shared>> -> memref<640x8xf32, #tpu.memory_space<vmem_shared>>
      tpu.enqueue_dma source(%arg10 : memref<640x8xf32, #tpu.memory_space<vmem>>) target(%dma_start3A_90 : memref<640x8xf32, #tpu.memory_space<vmem_shared>>) target_semaphore(%run_scoped3A_86 : memref<!tpu.dma_semaphore, #tpu.memory_space<semaphore_mem>>)
      %dma_wait3A_91 = arith.constant 0 : i32
      %dma_wait3A_92 = tpu.memref_slice %arg11[%mul3A_35, %dma_wait3A_91] : memref<10240x8xf32, #tpu.memory_space<vmem_shared>> -> memref<640x8xf32, #tpu.memory_space<vmem_shared>>
      %dma_wait3A_93 = arith.constant 0 : i32
      %dma_wait3A_94 = tpu.memref_slice %arg11[%mul3A_35, %dma_wait3A_93] : memref<10240x8xf32, #tpu.memory_space<vmem_shared>> -> memref<640x8xf32, #tpu.memory_space<vmem_shared>>
      tpu.wait_dma2 semaphore(%run_scoped3A_86 : memref<!tpu.dma_semaphore, #tpu.memory_space<semaphore_mem>>) src(%arg10 : memref<640x8xf32, #tpu.memory_space<vmem>>) dst(%dma_wait3A_94 : memref<640x8xf32, #tpu.memory_space<vmem_shared>>)
      tpu.yield
    }) : () -> ()
    %barrier3A = arith.constant 0 : index
    tpu.barrier barrier_id(%barrier3A)
    %scan3A = arith.constant 0 : i32
    %scan3A_36 = arith.constant 0 : i32
    %scan3A_37 = arith.constant 26 : i32
    %scan3A_38 = arith.addi %scan3A_36, %scan3A_37 : i32
    %scan3A_39 = arith.constant 1 : i32
    scf.for %scan3A_86 = %scan3A_36 to %scan3A_38 step %scan3A_39  : i32 {
      %mul3A_87 = arith.constant 3 : i32
      %mul3A_88 = arith.muli %scan3A_86, %mul3A_87 : i32
      %add3A = arith.constant 0 : i32
      %add3A_89 = arith.addi %mul3A_88, %add3A : i32
      %dma_wait3A_90 = arith.constant 0 : i32
      %dma_wait3A_91 = arith.constant 0 : i32
      %dma_wait3A_92 = arith.constant 0 : i32
      %dma_wait3A_93 = arith.constant 0 : i32
      %dma_wait3A_94 = tpu.memref_slice %arg9[%dma_wait3A_91, %dma_wait3A_92, %dma_wait3A_93] : memref<3x128x8xf32, #tpu.memory_space<vmem>> -> memref<1x128x8xf32, #tpu.memory_space<vmem>>
      %dma_wait3A_95 = tpu.memref_squeeze %dma_wait3A_94 : memref<1x128x8xf32, #tpu.memory_space<vmem>> -> memref<128x8xf32, #tpu.memory_space<vmem>>
      %dma_wait3A_96 = arith.constant 0 : i32
      %dma_wait3A_97 = tpu.memref_slice %arg7[%dma_wait3A_90, %dma_wait3A_96] : memref<81x128xi32, #tpu.memory_space<vmem>> -> memref<1x128xi32, #tpu.memory_space<vmem>>
      %dma_wait3A_98 = tpu.memref_squeeze %dma_wait3A_97 : memref<1x128xi32, #tpu.memory_space<vmem>> -> memref<128xi32, #tpu.memory_space<vmem>>
      %dma_wait3A_99 = arith.constant 0 : i32
      %dma_wait3A_100 = arith.constant 0 : i32
      %dma_wait3A_101 = tpu.memref_slice %arg4[%dma_wait3A_99, %dma_wait3A_100] : memref<10240x8xf32, #tpu.memory_space<hbm>> -> memref<10240x8xf32, #tpu.memory_space<hbm>>
      tpu.wait_indirect_dma semaphore(%arg12 : memref<!tpu.dma_semaphore, #tpu.memory_space<semaphore_mem>>) src(%dma_wait3A_101 : memref<10240x8xf32, #tpu.memory_space<hbm>>) dst(%dma_wait3A_95 : memref<128x8xf32, #tpu.memory_space<vmem>>)
      %run_scoped3A_102 = arith.constant 0 : i32
      "tpu.region"() ({
        %run_scoped3A_176 = tpu.sem_alloc : memref<!tpu.dma_semaphore, #tpu.memory_space<semaphore_mem>>
        %dma_start3A_177 = arith.constant 0 : i32
        %dma_start3A_178 = arith.constant 0 : i32
        %dma_start3A_179 = tpu.memref_slice %arg9[%run_scoped3A_102, %dma_start3A_177, %dma_start3A_178] : memref<3x128x8xf32, #tpu.memory_space<vmem>> -> memref<1x128x8xf32, #tpu.memory_space<vmem>>
        %dma_start3A_180 = tpu.memref_squeeze %dma_start3A_179 : memref<1x128x8xf32, #tpu.memory_space<vmem>> -> memref<128x8xf32, #tpu.memory_space<vmem>>
        %dma_start3A_181 = arith.constant 0 : i32
        %dma_start3A_182 = tpu.memref_slice %arg8[%add3A_89, %dma_start3A_181] : memref<81x128xi32, #tpu.memory_space<vmem>> -> memref<1x128xi32, #tpu.memory_space<vmem>>
        %dma_start3A_183 = tpu.memref_squeeze %dma_start3A_182 : memref<1x128xi32, #tpu.memory_space<vmem>> -> memref<128xi32, #tpu.memory_space<vmem>>
        %dma_start3A_184 = arith.constant 0 : i32
        %dma_start3A_185 = arith.constant 0 : i32
        %dma_start3A_186 = tpu.memref_slice %arg11[%dma_start3A_184, %dma_start3A_185] : memref<10240x8xf32, #tpu.memory_space<vmem_shared>> -> memref<10240x8xf32, #tpu.memory_space<vmem_shared>>
        tpu.enqueue_indirect_dma source(%dma_start3A_180 : memref<128x8xf32, #tpu.memory_space<vmem>>) target(%dma_start3A_186 : memref<10240x8xf32, #tpu.memory_space<vmem_shared>>) offsets(%dma_start3A_183 : memref<128xi32, #tpu.memory_space<vmem>>) semaphore(%run_scoped3A_176 : memref<!tpu.dma_semaphore, #tpu.memory_space<semaphore_mem>>) {add = true}
        %dma_wait3A_187 = arith.constant 0 : i32
        %dma_wait3A_188 = arith.constant 0 : i32
        %dma_wait3A_189 = tpu.memref_slice %arg9[%run_scoped3A_102, %dma_wait3A_187, %dma_wait3A_188] : memref<3x128x8xf32, #tpu.memory_space<vmem>> -> memref<1x128x8xf32, #tpu.memory_space<vmem>>
        %dma_wait3A_190 = tpu.memref_squeeze %dma_wait3A_189 : memref<1x128x8xf32, #tpu.memory_space<vmem>> -> memref<128x8xf32, #tpu.memory_space<vmem>>
        %dma_wait3A_191 = arith.constant 0 : i32
        %dma_wait3A_192 = tpu.memref_slice %arg8[%add3A_89, %dma_wait3A_191] : memref<81x128xi32, #tpu.memory_space<vmem>> -> memref<1x128xi32, #tpu.memory_space<vmem>>
        %dma_wait3A_193 = tpu.memref_squeeze %dma_wait3A_192 : memref<1x128xi32, #tpu.memory_space<vmem>> -> memref<128xi32, #tpu.memory_space<vmem>>
        %dma_wait3A_194 = arith.constant 0 : i32
        %dma_wait3A_195 = arith.constant 0 : i32
        %dma_wait3A_196 = tpu.memref_slice %arg11[%dma_wait3A_194, %dma_wait3A_195] : memref<10240x8xf32, #tpu.memory_space<vmem_shared>> -> memref<10240x8xf32, #tpu.memory_space<vmem_shared>>
        tpu.wait_indirect_dma semaphore(%run_scoped3A_176 : memref<!tpu.dma_semaphore, #tpu.memory_space<semaphore_mem>>) src(%dma_wait3A_190 : memref<128x8xf32, #tpu.memory_space<vmem>>) dst(%dma_wait3A_196 : memref<10240x8xf32, #tpu.memory_space<vmem_shared>>)
        tpu.yield
      }) : () -> ()
      %add3A_103 = arith.constant 3 : i32
      %add3A_104 = arith.addi %add3A_89, %add3A_103 : i32
      %dma_start3A_105 = arith.constant 0 : i32
      %dma_start3A_106 = arith.constant 0 : i32
      %dma_start3A_107 = arith.constant 0 : i32
      %dma_start3A_108 = tpu.memref_slice %arg9[%dma_start3A_105, %dma_start3A_106, %dma_start3A_107] : memref<3x128x8xf32, #tpu.memory_space<vmem>> -> memref<1x128x8xf32, #tpu.memory_space<vmem>>
      %dma_start3A_109 = tpu.memref_squeeze %dma_start3A_108 : memref<1x128x8xf32, #tpu.memory_space<vmem>> -> memref<128x8xf32, #tpu.memory_space<vmem>>
      %dma_start3A_110 = arith.constant 0 : i32
      %dma_start3A_111 = tpu.memref_slice %arg7[%add3A_104, %dma_start3A_110] : memref<81x128xi32, #tpu.memory_space<vmem>> -> memref<1x128xi32, #tpu.memory_space<vmem>>
      %dma_start3A_112 = tpu.memref_squeeze %dma_start3A_111 : memref<1x128xi32, #tpu.memory_space<vmem>> -> memref<128xi32, #tpu.memory_space<vmem>>
      %dma_start3A_113 = arith.constant 0 : i32
      %dma_start3A_114 = arith.constant 0 : i32
      %dma_start3A_115 = tpu.memref_slice %arg4[%dma_start3A_113, %dma_start3A_114] : memref<10240x8xf32, #tpu.memory_space<hbm>> -> memref<10240x8xf32, #tpu.memory_space<hbm>>
      tpu.enqueue_indirect_dma source(%dma_start3A_115 : memref<10240x8xf32, #tpu.memory_space<hbm>>) target(%dma_start3A_109 : memref<128x8xf32, #tpu.memory_space<vmem>>) offsets(%dma_start3A_112 : memref<128xi32, #tpu.memory_space<vmem>>) semaphore(%arg12 : memref<!tpu.dma_semaphore, #tpu.memory_space<semaphore_mem>>)
      %mul3A_116 = arith.constant 3 : i32
      %mul3A_117 = arith.muli %scan3A_86, %mul3A_116 : i32
      %add3A_118 = arith.constant 1 : i32
      %add3A_119 = arith.addi %mul3A_117, %add3A_118 : i32
      %dma_wait3A_120 = arith.constant 1 : i32
      %dma_wait3A_121 = arith.constant 1 : i32
      %dma_wait3A_122 = arith.constant 0 : i32
      %dma_wait3A_123 = arith.constant 0 : i32
      %dma_wait3A_124 = tpu.memref_slice %arg9[%dma_wait3A_121, %dma_wait3A_122, %dma_wait3A_123] : memref<3x128x8xf32, #tpu.memory_space<vmem>> -> memref<1x128x8xf32, #tpu.memory_space<vmem>>
      %dma_wait3A_125 = tpu.memref_squeeze %dma_wait3A_124 : memref<1x128x8xf32, #tpu.memory_space<vmem>> -> memref<128x8xf32, #tpu.memory_space<vmem>>
      %dma_wait3A_126 = arith.constant 0 : i32
      %dma_wait3A_127 = tpu.memref_slice %arg7[%dma_wait3A_120, %dma_wait3A_126] : memref<81x128xi32, #tpu.memory_space<vmem>> -> memref<1x128xi32, #tpu.memory_space<vmem>>
      %dma_wait3A_128 = tpu.memref_squeeze %dma_wait3A_127 : memref<1x128xi32, #tpu.memory_space<vmem>> -> memref<128xi32, #tpu.memory_space<vmem>>
      %dma_wait3A_129 = arith.constant 0 : i32
      %dma_wait3A_130 = arith.constant 0 : i32
      %dma_wait3A_131 = tpu.memref_slice %arg4[%dma_wait3A_129, %dma_wait3A_130] : memref<10240x8xf32, #tpu.memory_space<hbm>> -> memref<10240x8xf32, #tpu.memory_space<hbm>>
      tpu.wait_indirect_dma semaphore(%arg13 : memref<!tpu.dma_semaphore, #tpu.memory_space<semaphore_mem>>) src(%dma_wait3A_131 : memref<10240x8xf32, #tpu.memory_space<hbm>>) dst(%dma_wait3A_125 : memref<128x8xf32, #tpu.memory_space<vmem>>)
      %run_scoped3A_132 = arith.constant 1 : i32
      "tpu.region"() ({
        %run_scoped3A_176 = tpu.sem_alloc : memref<!tpu.dma_semaphore, #tpu.memory_space<semaphore_mem>>
        %dma_start3A_177 = arith.constant 0 : i32
        %dma_start3A_178 = arith.constant 0 : i32
        %dma_start3A_179 = tpu.memref_slice %arg9[%run_scoped3A_132, %dma_start3A_177, %dma_start3A_178] : memref<3x128x8xf32, #tpu.memory_space<vmem>> -> memref<1x128x8xf32, #tpu.memory_space<vmem>>
        %dma_start3A_180 = tpu.memref_squeeze %dma_start3A_179 : memref<1x128x8xf32, #tpu.memory_space<vmem>> -> memref<128x8xf32, #tpu.memory_space<vmem>>
        %dma_start3A_181 = arith.constant 0 : i32
        %dma_start3A_182 = tpu.memref_slice %arg8[%add3A_119, %dma_start3A_181] : memref<81x128xi32, #tpu.memory_space<vmem>> -> memref<1x128xi32, #tpu.memory_space<vmem>>
        %dma_start3A_183 = tpu.memref_squeeze %dma_start3A_182 : memref<1x128xi32, #tpu.memory_space<vmem>> -> memref<128xi32, #tpu.memory_space<vmem>>
        %dma_start3A_184 = arith.constant 0 : i32
        %dma_start3A_185 = arith.constant 0 : i32
        %dma_start3A_186 = tpu.memref_slice %arg11[%dma_start3A_184, %dma_start3A_185] : memref<10240x8xf32, #tpu.memory_space<vmem_shared>> -> memref<10240x8xf32, #tpu.memory_space<vmem_shared>>
        tpu.enqueue_indirect_dma source(%dma_start3A_180 : memref<128x8xf32, #tpu.memory_space<vmem>>) target(%dma_start3A_186 : memref<10240x8xf32, #tpu.memory_space<vmem_shared>>) offsets(%dma_start3A_183 : memref<128xi32, #tpu.memory_space<vmem>>) semaphore(%run_scoped3A_176 : memref<!tpu.dma_semaphore, #tpu.memory_space<semaphore_mem>>) {add = true}
        %dma_wait3A_187 = arith.constant 0 : i32
        %dma_wait3A_188 = arith.constant 0 : i32
        %dma_wait3A_189 = tpu.memref_slice %arg9[%run_scoped3A_132, %dma_wait3A_187, %dma_wait3A_188] : memref<3x128x8xf32, #tpu.memory_space<vmem>> -> memref<1x128x8xf32, #tpu.memory_space<vmem>>
        %dma_wait3A_190 = tpu.memref_squeeze %dma_wait3A_189 : memref<1x128x8xf32, #tpu.memory_space<vmem>> -> memref<128x8xf32, #tpu.memory_space<vmem>>
        %dma_wait3A_191 = arith.constant 0 : i32
        %dma_wait3A_192 = tpu.memref_slice %arg8[%add3A_119, %dma_wait3A_191] : memref<81x128xi32, #tpu.memory_space<vmem>> -> memref<1x128xi32, #tpu.memory_space<vmem>>
        %dma_wait3A_193 = tpu.memref_squeeze %dma_wait3A_192 : memref<1x128xi32, #tpu.memory_space<vmem>> -> memref<128xi32, #tpu.memory_space<vmem>>
        %dma_wait3A_194 = arith.constant 0 : i32
        %dma_wait3A_195 = arith.constant 0 : i32
        %dma_wait3A_196 = tpu.memref_slice %arg11[%dma_wait3A_194, %dma_wait3A_195] : memref<10240x8xf32, #tpu.memory_space<vmem_shared>> -> memref<10240x8xf32, #tpu.memory_space<vmem_shared>>
        tpu.wait_indirect_dma semaphore(%run_scoped3A_176 : memref<!tpu.dma_semaphore, #tpu.memory_space<semaphore_mem>>) src(%dma_wait3A_190 : memref<128x8xf32, #tpu.memory_space<vmem>>) dst(%dma_wait3A_196 : memref<10240x8xf32, #tpu.memory_space<vmem_shared>>)
        tpu.yield
      }) : () -> ()
      %add3A_133 = arith.constant 3 : i32
      %add3A_134 = arith.addi %add3A_119, %add3A_133 : i32
      %dma_start3A_135 = arith.constant 1 : i32
      %dma_start3A_136 = arith.constant 0 : i32
      %dma_start3A_137 = arith.constant 0 : i32
      %dma_start3A_138 = tpu.memref_slice %arg9[%dma_start3A_135, %dma_start3A_136, %dma_start3A_137] : memref<3x128x8xf32, #tpu.memory_space<vmem>> -> memref<1x128x8xf32, #tpu.memory_space<vmem>>
      %dma_start3A_139 = tpu.memref_squeeze %dma_start3A_138 : memref<1x128x8xf32, #tpu.memory_space<vmem>> -> memref<128x8xf32, #tpu.memory_space<vmem>>
      %dma_start3A_140 = arith.constant 0 : i32
      %dma_start3A_141 = tpu.memref_slice %arg7[%add3A_134, %dma_start3A_140] : memref<81x128xi32, #tpu.memory_space<vmem>> -> memref<1x128xi32, #tpu.memory_space<vmem>>
      %dma_start3A_142 = tpu.memref_squeeze %dma_start3A_141 : memref<1x128xi32, #tpu.memory_space<vmem>> -> memref<128xi32, #tpu.memory_space<vmem>>
      %dma_start3A_143 = arith.constant 0 : i32
      %dma_start3A_144 = arith.constant 0 : i32
      %dma_start3A_145 = tpu.memref_slice %arg4[%dma_start3A_143, %dma_start3A_144] : memref<10240x8xf32, #tpu.memory_space<hbm>> -> memref<10240x8xf32, #tpu.memory_space<hbm>>
      tpu.enqueue_indirect_dma source(%dma_start3A_145 : memref<10240x8xf32, #tpu.memory_space<hbm>>) target(%dma_start3A_139 : memref<128x8xf32, #tpu.memory_space<vmem>>) offsets(%dma_start3A_142 : memref<128xi32, #tpu.memory_space<vmem>>) semaphore(%arg13 : memref<!tpu.dma_semaphore, #tpu.memory_space<semaphore_mem>>)
      %mul3A_146 = arith.constant 3 : i32
      %mul3A_147 = arith.muli %scan3A_86, %mul3A_146 : i32
      %add3A_148 = arith.constant 2 : i32
      %add3A_149 = arith.addi %mul3A_147, %add3A_148 : i32
      %dma_wait3A_150 = arith.constant 2 : i32
      %dma_wait3A_151 = arith.constant 2 : i32
      %dma_wait3A_152 = arith.constant 0 : i32
      %dma_wait3A_153 = arith.constant 0 : i32
      %dma_wait3A_154 = tpu.memref_slice %arg9[%dma_wait3A_151, %dma_wait3A_152, %dma_wait3A_153] : memref<3x128x8xf32, #tpu.memory_space<vmem>> -> memref<1x128x8xf32, #tpu.memory_space<vmem>>
      %dma_wait3A_155 = tpu.memref_squeeze %dma_wait3A_154 : memref<1x128x8xf32, #tpu.memory_space<vmem>> -> memref<128x8xf32, #tpu.memory_space<vmem>>
      %dma_wait3A_156 = arith.constant 0 : i32
      %dma_wait3A_157 = tpu.memref_slice %arg7[%dma_wait3A_150, %dma_wait3A_156] : memref<81x128xi32, #tpu.memory_space<vmem>> -> memref<1x128xi32, #tpu.memory_space<vmem>>
      %dma_wait3A_158 = tpu.memref_squeeze %dma_wait3A_157 : memref<1x128xi32, #tpu.memory_space<vmem>> -> memref<128xi32, #tpu.memory_space<vmem>>
      %dma_wait3A_159 = arith.constant 0 : i32
      %dma_wait3A_160 = arith.constant 0 : i32
      %dma_wait3A_161 = tpu.memref_slice %arg4[%dma_wait3A_159, %dma_wait3A_160] : memref<10240x8xf32, #tpu.memory_space<hbm>> -> memref<10240x8xf32, #tpu.memory_space<hbm>>
      tpu.wait_indirect_dma semaphore(%arg14 : memref<!tpu.dma_semaphore, #tpu.memory_space<semaphore_mem>>) src(%dma_wait3A_161 : memref<10240x8xf32, #tpu.memory_space<hbm>>) dst(%dma_wait3A_155 : memref<128x8xf32, #tpu.memory_space<vmem>>)
      %run_scoped3A_162 = arith.constant 2 : i32
      "tpu.region"() ({
        %run_scoped3A_176 = tpu.sem_alloc : memref<!tpu.dma_semaphore, #tpu.memory_space<semaphore_mem>>
        %dma_start3A_177 = arith.constant 0 : i32
        %dma_start3A_178 = arith.constant 0 : i32
        %dma_start3A_179 = tpu.memref_slice %arg9[%run_scoped3A_162, %dma_start3A_177, %dma_start3A_178] : memref<3x128x8xf32, #tpu.memory_space<vmem>> -> memref<1x128x8xf32, #tpu.memory_space<vmem>>
        %dma_start3A_180 = tpu.memref_squeeze %dma_start3A_179 : memref<1x128x8xf32, #tpu.memory_space<vmem>> -> memref<128x8xf32, #tpu.memory_space<vmem>>
        %dma_start3A_181 = arith.constant 0 : i32
        %dma_start3A_182 = tpu.memref_slice %arg8[%add3A_149, %dma_start3A_181] : memref<81x128xi32, #tpu.memory_space<vmem>> -> memref<1x128xi32, #tpu.memory_space<vmem>>
        %dma_start3A_183 = tpu.memref_squeeze %dma_start3A_182 : memref<1x128xi32, #tpu.memory_space<vmem>> -> memref<128xi32, #tpu.memory_space<vmem>>
        %dma_start3A_184 = arith.constant 0 : i32
        %dma_start3A_185 = arith.constant 0 : i32
        %dma_start3A_186 = tpu.memref_slice %arg11[%dma_start3A_184, %dma_start3A_185] : memref<10240x8xf32, #tpu.memory_space<vmem_shared>> -> memref<10240x8xf32, #tpu.memory_space<vmem_shared>>
        tpu.enqueue_indirect_dma source(%dma_start3A_180 : memref<128x8xf32, #tpu.memory_space<vmem>>) target(%dma_start3A_186 : memref<10240x8xf32, #tpu.memory_space<vmem_shared>>) offsets(%dma_start3A_183 : memref<128xi32, #tpu.memory_space<vmem>>) semaphore(%run_scoped3A_176 : memref<!tpu.dma_semaphore, #tpu.memory_space<semaphore_mem>>) {add = true}
        %dma_wait3A_187 = arith.constant 0 : i32
        %dma_wait3A_188 = arith.constant 0 : i32
        %dma_wait3A_189 = tpu.memref_slice %arg9[%run_scoped3A_162, %dma_wait3A_187, %dma_wait3A_188] : memref<3x128x8xf32, #tpu.memory_space<vmem>> -> memref<1x128x8xf32, #tpu.memory_space<vmem>>
        %dma_wait3A_190 = tpu.memref_squeeze %dma_wait3A_189 : memref<1x128x8xf32, #tpu.memory_space<vmem>> -> memref<128x8xf32, #tpu.memory_space<vmem>>
        %dma_wait3A_191 = arith.constant 0 : i32
        %dma_wait3A_192 = tpu.memref_slice %arg8[%add3A_149, %dma_wait3A_191] : memref<81x128xi32, #tpu.memory_space<vmem>> -> memref<1x128xi32, #tpu.memory_space<vmem>>
        %dma_wait3A_193 = tpu.memref_squeeze %dma_wait3A_192 : memref<1x128xi32, #tpu.memory_space<vmem>> -> memref<128xi32, #tpu.memory_space<vmem>>
        %dma_wait3A_194 = arith.constant 0 : i32
        %dma_wait3A_195 = arith.constant 0 : i32
        %dma_wait3A_196 = tpu.memref_slice %arg11[%dma_wait3A_194, %dma_wait3A_195] : memref<10240x8xf32, #tpu.memory_space<vmem_shared>> -> memref<10240x8xf32, #tpu.memory_space<vmem_shared>>
        tpu.wait_indirect_dma semaphore(%run_scoped3A_176 : memref<!tpu.dma_semaphore, #tpu.memory_space<semaphore_mem>>) src(%dma_wait3A_190 : memref<128x8xf32, #tpu.memory_space<vmem>>) dst(%dma_wait3A_196 : memref<10240x8xf32, #tpu.memory_space<vmem_shared>>)
        tpu.yield
      }) : () -> ()
      %add3A_163 = arith.constant 3 : i32
      %add3A_164 = arith.addi %add3A_149, %add3A_163 : i32
      %dma_start3A_165 = arith.constant 2 : i32
      %dma_start3A_166 = arith.constant 0 : i32
      %dma_start3A_167 = arith.constant 0 : i32
      %dma_start3A_168 = tpu.memref_slice %arg9[%dma_start3A_165, %dma_start3A_166, %dma_start3A_167] : memref<3x128x8xf32, #tpu.memory_space<vmem>> -> memref<1x128x8xf32, #tpu.memory_space<vmem>>
      %dma_start3A_169 = tpu.memref_squeeze %dma_start3A_168 : memref<1x128x8xf32, #tpu.memory_space<vmem>> -> memref<128x8xf32, #tpu.memory_space<vmem>>
      %dma_start3A_170 = arith.constant 0 : i32
      %dma_start3A_171 = tpu.memref_slice %arg7[%add3A_164, %dma_start3A_170] : memref<81x128xi32, #tpu.memory_space<vmem>> -> memref<1x128xi32, #tpu.memory_space<vmem>>
      %dma_start3A_172 = tpu.memref_squeeze %dma_start3A_171 : memref<1x128xi32, #tpu.memory_space<vmem>> -> memref<128xi32, #tpu.memory_space<vmem>>
      %dma_start3A_173 = arith.constant 0 : i32
      %dma_start3A_174 = arith.constant 0 : i32
      %dma_start3A_175 = tpu.memref_slice %arg4[%dma_start3A_173, %dma_start3A_174] : memref<10240x8xf32, #tpu.memory_space<hbm>> -> memref<10240x8xf32, #tpu.memory_space<hbm>>
      tpu.enqueue_indirect_dma source(%dma_start3A_175 : memref<10240x8xf32, #tpu.memory_space<hbm>>) target(%dma_start3A_169 : memref<128x8xf32, #tpu.memory_space<vmem>>) offsets(%dma_start3A_172 : memref<128xi32, #tpu.memory_space<vmem>>) semaphore(%arg14 : memref<!tpu.dma_semaphore, #tpu.memory_space<semaphore_mem>>)
    }
    %scan3A_40 = arith.constant 26 : i32
    %dma_wait3A = arith.constant 0 : i32
    %dma_wait3A_41 = arith.constant 0 : i32
    %dma_wait3A_42 = arith.constant 0 : i32
    %dma_wait3A_43 = arith.constant 0 : i32
    %dma_wait3A_44 = tpu.memref_slice %arg9[%dma_wait3A_41, %dma_wait3A_42, %dma_wait3A_43] : memref<3x128x8xf32, #tpu.memory_space<vmem>> -> memref<1x128x8xf32, #tpu.memory_space<vmem>>
    %dma_wait3A_45 = tpu.memref_squeeze %dma_wait3A_44 : memref<1x128x8xf32, #tpu.memory_space<vmem>> -> memref<128x8xf32, #tpu.memory_space<vmem>>
    %dma_wait3A_46 = arith.constant 0 : i32
    %dma_wait3A_47 = tpu.memref_slice %arg7[%dma_wait3A, %dma_wait3A_46] : memref<81x128xi32, #tpu.memory_space<vmem>> -> memref<1x128xi32, #tpu.memory_space<vmem>>
    %dma_wait3A_48 = tpu.memref_squeeze %dma_wait3A_47 : memref<1x128xi32, #tpu.memory_space<vmem>> -> memref<128xi32, #tpu.memory_space<vmem>>
    %dma_wait3A_49 = arith.constant 0 : i32
    %dma_wait3A_50 = arith.constant 0 : i32
    %dma_wait3A_51 = tpu.memref_slice %arg4[%dma_wait3A_49, %dma_wait3A_50] : memref<10240x8xf32, #tpu.memory_space<hbm>> -> memref<10240x8xf32, #tpu.memory_space<hbm>>
    tpu.wait_indirect_dma semaphore(%arg12 : memref<!tpu.dma_semaphore, #tpu.memory_space<semaphore_mem>>) src(%dma_wait3A_51 : memref<10240x8xf32, #tpu.memory_space<hbm>>) dst(%dma_wait3A_45 : memref<128x8xf32, #tpu.memory_space<vmem>>)
    %run_scoped3A = arith.constant 0 : i32
    %run_scoped3A_52 = arith.constant 78 : i32
    "tpu.region"() ({
      %run_scoped3A_86 = tpu.sem_alloc : memref<!tpu.dma_semaphore, #tpu.memory_space<semaphore_mem>>
      %dma_start3A_87 = arith.constant 0 : i32
      %dma_start3A_88 = arith.constant 0 : i32
      %dma_start3A_89 = tpu.memref_slice %arg9[%run_scoped3A, %dma_start3A_87, %dma_start3A_88] : memref<3x128x8xf32, #tpu.memory_space<vmem>> -> memref<1x128x8xf32, #tpu.memory_space<vmem>>
      %dma_start3A_90 = tpu.memref_squeeze %dma_start3A_89 : memref<1x128x8xf32, #tpu.memory_space<vmem>> -> memref<128x8xf32, #tpu.memory_space<vmem>>
      %dma_start3A_91 = arith.constant 0 : i32
      %dma_start3A_92 = tpu.memref_slice %arg8[%run_scoped3A_52, %dma_start3A_91] : memref<81x128xi32, #tpu.memory_space<vmem>> -> memref<1x128xi32, #tpu.memory_space<vmem>>
      %dma_start3A_93 = tpu.memref_squeeze %dma_start3A_92 : memref<1x128xi32, #tpu.memory_space<vmem>> -> memref<128xi32, #tpu.memory_space<vmem>>
      %dma_start3A_94 = arith.constant 0 : i32
      %dma_start3A_95 = arith.constant 0 : i32
      %dma_start3A_96 = tpu.memref_slice %arg11[%dma_start3A_94, %dma_start3A_95] : memref<10240x8xf32, #tpu.memory_space<vmem_shared>> -> memref<10240x8xf32, #tpu.memory_space<vmem_shared>>
      tpu.enqueue_indirect_dma source(%dma_start3A_90 : memref<128x8xf32, #tpu.memory_space<vmem>>) target(%dma_start3A_96 : memref<10240x8xf32, #tpu.memory_space<vmem_shared>>) offsets(%dma_start3A_93 : memref<128xi32, #tpu.memory_space<vmem>>) semaphore(%run_scoped3A_86 : memref<!tpu.dma_semaphore, #tpu.memory_space<semaphore_mem>>) {add = true}
      %dma_wait3A_97 = arith.constant 0 : i32
      %dma_wait3A_98 = arith.constant 0 : i32
      %dma_wait3A_99 = tpu.memref_slice %arg9[%run_scoped3A, %dma_wait3A_97, %dma_wait3A_98] : memref<3x128x8xf32, #tpu.memory_space<vmem>> -> memref<1x128x8xf32, #tpu.memory_space<vmem>>
      %dma_wait3A_100 = tpu.memref_squeeze %dma_wait3A_99 : memref<1x128x8xf32, #tpu.memory_space<vmem>> -> memref<128x8xf32, #tpu.memory_space<vmem>>
      %dma_wait3A_101 = arith.constant 0 : i32
      %dma_wait3A_102 = tpu.memref_slice %arg8[%run_scoped3A_52, %dma_wait3A_101] : memref<81x128xi32, #tpu.memory_space<vmem>> -> memref<1x128xi32, #tpu.memory_space<vmem>>
      %dma_wait3A_103 = tpu.memref_squeeze %dma_wait3A_102 : memref<1x128xi32, #tpu.memory_space<vmem>> -> memref<128xi32, #tpu.memory_space<vmem>>
      %dma_wait3A_104 = arith.constant 0 : i32
      %dma_wait3A_105 = arith.constant 0 : i32
      %dma_wait3A_106 = tpu.memref_slice %arg11[%dma_wait3A_104, %dma_wait3A_105] : memref<10240x8xf32, #tpu.memory_space<vmem_shared>> -> memref<10240x8xf32, #tpu.memory_space<vmem_shared>>
      tpu.wait_indirect_dma semaphore(%run_scoped3A_86 : memref<!tpu.dma_semaphore, #tpu.memory_space<semaphore_mem>>) src(%dma_wait3A_100 : memref<128x8xf32, #tpu.memory_space<vmem>>) dst(%dma_wait3A_106 : memref<10240x8xf32, #tpu.memory_space<vmem_shared>>)
      tpu.yield
    }) : () -> ()
    %dma_wait3A_53 = arith.constant 1 : i32
    %dma_wait3A_54 = arith.constant 1 : i32
    %dma_wait3A_55 = arith.constant 0 : i32
    %dma_wait3A_56 = arith.constant 0 : i32
    %dma_wait3A_57 = tpu.memref_slice %arg9[%dma_wait3A_54, %dma_wait3A_55, %dma_wait3A_56] : memref<3x128x8xf32, #tpu.memory_space<vmem>> -> memref<1x128x8xf32, #tpu.memory_space<vmem>>
    %dma_wait3A_58 = tpu.memref_squeeze %dma_wait3A_57 : memref<1x128x8xf32, #tpu.memory_space<vmem>> -> memref<128x8xf32, #tpu.memory_space<vmem>>
    %dma_wait3A_59 = arith.constant 0 : i32
    %dma_wait3A_60 = tpu.memref_slice %arg7[%dma_wait3A_53, %dma_wait3A_59] : memref<81x128xi32, #tpu.memory_space<vmem>> -> memref<1x128xi32, #tpu.memory_space<vmem>>
    %dma_wait3A_61 = tpu.memref_squeeze %dma_wait3A_60 : memref<1x128xi32, #tpu.memory_space<vmem>> -> memref<128xi32, #tpu.memory_space<vmem>>
    %dma_wait3A_62 = arith.constant 0 : i32
    %dma_wait3A_63 = arith.constant 0 : i32
    %dma_wait3A_64 = tpu.memref_slice %arg4[%dma_wait3A_62, %dma_wait3A_63] : memref<10240x8xf32, #tpu.memory_space<hbm>> -> memref<10240x8xf32, #tpu.memory_space<hbm>>
    tpu.wait_indirect_dma semaphore(%arg13 : memref<!tpu.dma_semaphore, #tpu.memory_space<semaphore_mem>>) src(%dma_wait3A_64 : memref<10240x8xf32, #tpu.memory_space<hbm>>) dst(%dma_wait3A_58 : memref<128x8xf32, #tpu.memory_space<vmem>>)
    %run_scoped3A_65 = arith.constant 1 : i32
    %run_scoped3A_66 = arith.constant 79 : i32
    "tpu.region"() ({
      %run_scoped3A_86 = tpu.sem_alloc : memref<!tpu.dma_semaphore, #tpu.memory_space<semaphore_mem>>
      %dma_start3A_87 = arith.constant 0 : i32
      %dma_start3A_88 = arith.constant 0 : i32
      %dma_start3A_89 = tpu.memref_slice %arg9[%run_scoped3A_65, %dma_start3A_87, %dma_start3A_88] : memref<3x128x8xf32, #tpu.memory_space<vmem>> -> memref<1x128x8xf32, #tpu.memory_space<vmem>>
      %dma_start3A_90 = tpu.memref_squeeze %dma_start3A_89 : memref<1x128x8xf32, #tpu.memory_space<vmem>> -> memref<128x8xf32, #tpu.memory_space<vmem>>
      %dma_start3A_91 = arith.constant 0 : i32
      %dma_start3A_92 = tpu.memref_slice %arg8[%run_scoped3A_66, %dma_start3A_91] : memref<81x128xi32, #tpu.memory_space<vmem>> -> memref<1x128xi32, #tpu.memory_space<vmem>>
      %dma_start3A_93 = tpu.memref_squeeze %dma_start3A_92 : memref<1x128xi32, #tpu.memory_space<vmem>> -> memref<128xi32, #tpu.memory_space<vmem>>
      %dma_start3A_94 = arith.constant 0 : i32
      %dma_start3A_95 = arith.constant 0 : i32
      %dma_start3A_96 = tpu.memref_slice %arg11[%dma_start3A_94, %dma_start3A_95] : memref<10240x8xf32, #tpu.memory_space<vmem_shared>> -> memref<10240x8xf32, #tpu.memory_space<vmem_shared>>
      tpu.enqueue_indirect_dma source(%dma_start3A_90 : memref<128x8xf32, #tpu.memory_space<vmem>>) target(%dma_start3A_96 : memref<10240x8xf32, #tpu.memory_space<vmem_shared>>) offsets(%dma_start3A_93 : memref<128xi32, #tpu.memory_space<vmem>>) semaphore(%run_scoped3A_86 : memref<!tpu.dma_semaphore, #tpu.memory_space<semaphore_mem>>) {add = true}
      %dma_wait3A_97 = arith.constant 0 : i32
      %dma_wait3A_98 = arith.constant 0 : i32
      %dma_wait3A_99 = tpu.memref_slice %arg9[%run_scoped3A_65, %dma_wait3A_97, %dma_wait3A_98] : memref<3x128x8xf32, #tpu.memory_space<vmem>> -> memref<1x128x8xf32, #tpu.memory_space<vmem>>
      %dma_wait3A_100 = tpu.memref_squeeze %dma_wait3A_99 : memref<1x128x8xf32, #tpu.memory_space<vmem>> -> memref<128x8xf32, #tpu.memory_space<vmem>>
      %dma_wait3A_101 = arith.constant 0 : i32
      %dma_wait3A_102 = tpu.memref_slice %arg8[%run_scoped3A_66, %dma_wait3A_101] : memref<81x128xi32, #tpu.memory_space<vmem>> -> memref<1x128xi32, #tpu.memory_space<vmem>>
      %dma_wait3A_103 = tpu.memref_squeeze %dma_wait3A_102 : memref<1x128xi32, #tpu.memory_space<vmem>> -> memref<128xi32, #tpu.memory_space<vmem>>
      %dma_wait3A_104 = arith.constant 0 : i32
      %dma_wait3A_105 = arith.constant 0 : i32
      %dma_wait3A_106 = tpu.memref_slice %arg11[%dma_wait3A_104, %dma_wait3A_105] : memref<10240x8xf32, #tpu.memory_space<vmem_shared>> -> memref<10240x8xf32, #tpu.memory_space<vmem_shared>>
      tpu.wait_indirect_dma semaphore(%run_scoped3A_86 : memref<!tpu.dma_semaphore, #tpu.memory_space<semaphore_mem>>) src(%dma_wait3A_100 : memref<128x8xf32, #tpu.memory_space<vmem>>) dst(%dma_wait3A_106 : memref<10240x8xf32, #tpu.memory_space<vmem_shared>>)
      tpu.yield
    }) : () -> ()
    %dma_wait3A_67 = arith.constant 2 : i32
    %dma_wait3A_68 = arith.constant 2 : i32
    %dma_wait3A_69 = arith.constant 0 : i32
    %dma_wait3A_70 = arith.constant 0 : i32
    %dma_wait3A_71 = tpu.memref_slice %arg9[%dma_wait3A_68, %dma_wait3A_69, %dma_wait3A_70] : memref<3x128x8xf32, #tpu.memory_space<vmem>> -> memref<1x128x8xf32, #tpu.memory_space<vmem>>
    %dma_wait3A_72 = tpu.memref_squeeze %dma_wait3A_71 : memref<1x128x8xf32, #tpu.memory_space<vmem>> -> memref<128x8xf32, #tpu.memory_space<vmem>>
    %dma_wait3A_73 = arith.constant 0 : i32
    %dma_wait3A_74 = tpu.memref_slice %arg7[%dma_wait3A_67, %dma_wait3A_73] : memref<81x128xi32, #tpu.memory_space<vmem>> -> memref<1x128xi32, #tpu.memory_space<vmem>>
    %dma_wait3A_75 = tpu.memref_squeeze %dma_wait3A_74 : memref<1x128xi32, #tpu.memory_space<vmem>> -> memref<128xi32, #tpu.memory_space<vmem>>
    %dma_wait3A_76 = arith.constant 0 : i32
    %dma_wait3A_77 = arith.constant 0 : i32
    %dma_wait3A_78 = tpu.memref_slice %arg4[%dma_wait3A_76, %dma_wait3A_77] : memref<10240x8xf32, #tpu.memory_space<hbm>> -> memref<10240x8xf32, #tpu.memory_space<hbm>>
    tpu.wait_indirect_dma semaphore(%arg14 : memref<!tpu.dma_semaphore, #tpu.memory_space<semaphore_mem>>) src(%dma_wait3A_78 : memref<10240x8xf32, #tpu.memory_space<hbm>>) dst(%dma_wait3A_72 : memref<128x8xf32, #tpu.memory_space<vmem>>)
    %run_scoped3A_79 = arith.constant 2 : i32
    %run_scoped3A_80 = arith.constant 80 : i32
    "tpu.region"() ({
      %run_scoped3A_86 = tpu.sem_alloc : memref<!tpu.dma_semaphore, #tpu.memory_space<semaphore_mem>>
      %dma_start3A_87 = arith.constant 0 : i32
      %dma_start3A_88 = arith.constant 0 : i32
      %dma_start3A_89 = tpu.memref_slice %arg9[%run_scoped3A_79, %dma_start3A_87, %dma_start3A_88] : memref<3x128x8xf32, #tpu.memory_space<vmem>> -> memref<1x128x8xf32, #tpu.memory_space<vmem>>
      %dma_start3A_90 = tpu.memref_squeeze %dma_start3A_89 : memref<1x128x8xf32, #tpu.memory_space<vmem>> -> memref<128x8xf32, #tpu.memory_space<vmem>>
      %dma_start3A_91 = arith.constant 0 : i32
      %dma_start3A_92 = tpu.memref_slice %arg8[%run_scoped3A_80, %dma_start3A_91] : memref<81x128xi32, #tpu.memory_space<vmem>> -> memref<1x128xi32, #tpu.memory_space<vmem>>
      %dma_start3A_93 = tpu.memref_squeeze %dma_start3A_92 : memref<1x128xi32, #tpu.memory_space<vmem>> -> memref<128xi32, #tpu.memory_space<vmem>>
      %dma_start3A_94 = arith.constant 0 : i32
      %dma_start3A_95 = arith.constant 0 : i32
      %dma_start3A_96 = tpu.memref_slice %arg11[%dma_start3A_94, %dma_start3A_95] : memref<10240x8xf32, #tpu.memory_space<vmem_shared>> -> memref<10240x8xf32, #tpu.memory_space<vmem_shared>>
      tpu.enqueue_indirect_dma source(%dma_start3A_90 : memref<128x8xf32, #tpu.memory_space<vmem>>) target(%dma_start3A_96 : memref<10240x8xf32, #tpu.memory_space<vmem_shared>>) offsets(%dma_start3A_93 : memref<128xi32, #tpu.memory_space<vmem>>) semaphore(%run_scoped3A_86 : memref<!tpu.dma_semaphore, #tpu.memory_space<semaphore_mem>>) {add = true}
      %dma_wait3A_97 = arith.constant 0 : i32
      %dma_wait3A_98 = arith.constant 0 : i32
      %dma_wait3A_99 = tpu.memref_slice %arg9[%run_scoped3A_79, %dma_wait3A_97, %dma_wait3A_98] : memref<3x128x8xf32, #tpu.memory_space<vmem>> -> memref<1x128x8xf32, #tpu.memory_space<vmem>>
      %dma_wait3A_100 = tpu.memref_squeeze %dma_wait3A_99 : memref<1x128x8xf32, #tpu.memory_space<vmem>> -> memref<128x8xf32, #tpu.memory_space<vmem>>
      %dma_wait3A_101 = arith.constant 0 : i32
      %dma_wait3A_102 = tpu.memref_slice %arg8[%run_scoped3A_80, %dma_wait3A_101] : memref<81x128xi32, #tpu.memory_space<vmem>> -> memref<1x128xi32, #tpu.memory_space<vmem>>
      %dma_wait3A_103 = tpu.memref_squeeze %dma_wait3A_102 : memref<1x128xi32, #tpu.memory_space<vmem>> -> memref<128xi32, #tpu.memory_space<vmem>>
      %dma_wait3A_104 = arith.constant 0 : i32
      %dma_wait3A_105 = arith.constant 0 : i32
      %dma_wait3A_106 = tpu.memref_slice %arg11[%dma_wait3A_104, %dma_wait3A_105] : memref<10240x8xf32, #tpu.memory_space<vmem_shared>> -> memref<10240x8xf32, #tpu.memory_space<vmem_shared>>
      tpu.wait_indirect_dma semaphore(%run_scoped3A_86 : memref<!tpu.dma_semaphore, #tpu.memory_space<semaphore_mem>>) src(%dma_wait3A_100 : memref<128x8xf32, #tpu.memory_space<vmem>>) dst(%dma_wait3A_106 : memref<10240x8xf32, #tpu.memory_space<vmem_shared>>)
      tpu.yield
    }) : () -> ()
    %barrier3A_81 = arith.constant 0 : index
    tpu.barrier barrier_id(%barrier3A_81)
    %mul3A_82 = arith.constant 640 : i32
    %mul3A_83 = arith.muli %arg1, %mul3A_82 : i32
    "tpu.region"() ({
      %run_scoped3A_86 = tpu.sem_alloc : memref<!tpu.dma_semaphore, #tpu.memory_space<semaphore_mem>>
      %dma_start3A_87 = arith.constant 0 : i32
      %dma_start3A_88 = tpu.memref_slice %arg11[%mul3A_83, %dma_start3A_87] : memref<10240x8xf32, #tpu.memory_space<vmem_shared>> -> memref<640x8xf32, #tpu.memory_space<vmem_shared>>
      %dma_start3A_89 = arith.constant 0 : i32
      %dma_start3A_90 = tpu.memref_slice %arg11[%mul3A_83, %dma_start3A_89] : memref<10240x8xf32, #tpu.memory_space<vmem_shared>> -> memref<640x8xf32, #tpu.memory_space<vmem_shared>>
      tpu.enqueue_dma source(%dma_start3A_90 : memref<640x8xf32, #tpu.memory_space<vmem_shared>>) target(%arg10 : memref<640x8xf32, #tpu.memory_space<vmem>>) target_semaphore(%run_scoped3A_86 : memref<!tpu.dma_semaphore, #tpu.memory_space<semaphore_mem>>)
      %dma_wait3A_91 = arith.constant 0 : i32
      %dma_wait3A_92 = tpu.memref_slice %arg11[%mul3A_83, %dma_wait3A_91] : memref<10240x8xf32, #tpu.memory_space<vmem_shared>> -> memref<640x8xf32, #tpu.memory_space<vmem_shared>>
      %dma_wait3A_93 = arith.constant 0 : i32
      %dma_wait3A_94 = tpu.memref_slice %arg11[%mul3A_83, %dma_wait3A_93] : memref<10240x8xf32, #tpu.memory_space<vmem_shared>> -> memref<640x8xf32, #tpu.memory_space<vmem_shared>>
      tpu.wait_dma2 semaphore(%run_scoped3A_86 : memref<!tpu.dma_semaphore, #tpu.memory_space<semaphore_mem>>) src(%dma_wait3A_94 : memref<640x8xf32, #tpu.memory_space<vmem_shared>>) dst(%arg10 : memref<640x8xf32, #tpu.memory_space<vmem>>)
      tpu.yield
    }) : () -> ()
    %mul3A_84 = arith.constant 640 : i32
    %mul3A_85 = arith.muli %arg1, %mul3A_84 : i32
    "tpu.region"() ({
      %run_scoped3A_86 = tpu.sem_alloc : memref<!tpu.dma_semaphore, #tpu.memory_space<semaphore_mem>>
      %dma_start3A_87 = arith.constant 0 : i32
      %dma_start3A_88 = tpu.memref_slice %arg6[%arg0, %mul3A_85, %dma_start3A_87] : memref<2x10240x8xf32, #tpu.memory_space<hbm>> -> memref<1x640x8xf32, #tpu.memory_space<hbm>>
      %dma_start3A_89 = tpu.memref_squeeze %dma_start3A_88 : memref<1x640x8xf32, #tpu.memory_space<hbm>> -> memref<640x8xf32, #tpu.memory_space<hbm>>
      %dma_start3A_90 = arith.constant 0 : i32
      %dma_start3A_91 = tpu.memref_slice %arg6[%arg0, %mul3A_85, %dma_start3A_90] : memref<2x10240x8xf32, #tpu.memory_space<hbm>> -> memref<1x640x8xf32, #tpu.memory_space<hbm>>
      %dma_start3A_92 = tpu.memref_squeeze %dma_start3A_91 : memref<1x640x8xf32, #tpu.memory_space<hbm>> -> memref<640x8xf32, #tpu.memory_space<hbm>>
      tpu.enqueue_dma source(%arg10 : memref<640x8xf32, #tpu.memory_space<vmem>>) target(%dma_start3A_92 : memref<640x8xf32, #tpu.memory_space<hbm>>) target_semaphore(%run_scoped3A_86 : memref<!tpu.dma_semaphore, #tpu.memory_space<semaphore_mem>>)
      %dma_wait3A_93 = arith.constant 0 : i32
      %dma_wait3A_94 = tpu.memref_slice %arg6[%arg0, %mul3A_85, %dma_wait3A_93] : memref<2x10240x8xf32, #tpu.memory_space<hbm>> -> memref<1x640x8xf32, #tpu.memory_space<hbm>>
      %dma_wait3A_95 = tpu.memref_squeeze %dma_wait3A_94 : memref<1x640x8xf32, #tpu.memory_space<hbm>> -> memref<640x8xf32, #tpu.memory_space<hbm>>
      %dma_wait3A_96 = arith.constant 0 : i32
      %dma_wait3A_97 = tpu.memref_slice %arg6[%arg0, %mul3A_85, %dma_wait3A_96] : memref<2x10240x8xf32, #tpu.memory_space<hbm>> -> memref<1x640x8xf32, #tpu.memory_space<hbm>>
      %dma_wait3A_98 = tpu.memref_squeeze %dma_wait3A_97 : memref<1x640x8xf32, #tpu.memory_space<hbm>> -> memref<640x8xf32, #tpu.memory_space<hbm>>
      tpu.wait_dma2 semaphore(%run_scoped3A_86 : memref<!tpu.dma_semaphore, #tpu.memory_space<semaphore_mem>>) src(%arg10 : memref<640x8xf32, #tpu.memory_space<vmem>>) dst(%dma_wait3A_98 : memref<640x8xf32, #tpu.memory_space<hbm>>)
      tpu.yield
    }) : () -> ()
    return
  }
}

#map = affine_map<(d0, d1) -> (0, 0, 0, 0)>
#map1 = affine_map<(d0, d1) -> (0, 0)>
#map2 = affine_map<(d0, d1) -> (0, 0, 0)>
module attributes {stable_mosaic.version = 14 : i64} {
  func.func @_sc_agg(%arg0: i32, %arg1: i32, %arg2: memref<2x16x81x128xi32, #tpu.memory_space<hbm>>, %arg3: memref<2x16x81x128xi32, #tpu.memory_space<hbm>>, %arg4: memref<10240x8xf32, #tpu.memory_space<hbm>>, %arg5: memref<640x8xf32, #tpu.memory_space<hbm>>, %arg6: memref<2x10240x8xf32, #tpu.memory_space<hbm>>, %arg7: memref<81x128xi32, #tpu.memory_space<vmem>>, %arg8: memref<81x128xi32, #tpu.memory_space<vmem>>, %arg9: memref<3x128x8xf32, #tpu.memory_space<vmem>>, %arg10: memref<640x8xf32, #tpu.memory_space<vmem>>, %arg11: memref<10240x8xf32, #tpu.memory_space<vmem_shared>>, %arg12: memref<!tpu.dma_semaphore, #tpu.memory_space<semaphore_mem>>, %arg13: memref<!tpu.dma_semaphore, #tpu.memory_space<semaphore_mem>>, %arg14: memref<!tpu.dma_semaphore, #tpu.memory_space<semaphore_mem>>) attributes {dimension_semantics = [#tpu.dimension_semantics<core_parallel>, #tpu.dimension_semantics<subcore_parallel>], iteration_bounds = array<i64: 2, 16>, scalar_prefetch = 0 : i64, scratch_operands = 8 : i64, tpu.core_type = #tpu.core_type<sc_vector_subcore>, window_params = [{transform_indices = #map}, {transform_indices = #map}, {transform_indices = #map1}, {transform_indices = #map1}, {transform_indices = #map2}]} {
    "tpu.region"() ({
      %run_scoped3A_86 = tpu.sem_alloc : memref<!tpu.dma_semaphore, #tpu.memory_space<semaphore_mem>>
      %dma_start3A_87 = arith.constant 0 : i32
      %dma_start3A_88 = arith.constant 0 : i32
      %dma_start3A_89 = tpu.memref_slice %arg2[%arg0, %arg1, %dma_start3A_87, %dma_start3A_88] : memref<2x16x81x128xi32, #tpu.memory_space<hbm>> -> memref<1x1x81x128xi32, #tpu.memory_space<hbm>>
      %dma_start3A_90 = tpu.memref_squeeze %dma_start3A_89 : memref<1x1x81x128xi32, #tpu.memory_space<hbm>> -> memref<81x128xi32, #tpu.memory_space<hbm>>
      %dma_start3A_91 = arith.constant 0 : i32
      %dma_start3A_92 = arith.constant 0 : i32
      %dma_start3A_93 = tpu.memref_slice %arg2[%arg0, %arg1, %dma_start3A_91, %dma_start3A_92] : memref<2x16x81x128xi32, #tpu.memory_space<hbm>> -> memref<1x1x81x128xi32, #tpu.memory_space<hbm>>
      %dma_start3A_94 = tpu.memref_squeeze %dma_start3A_93 : memref<1x1x81x128xi32, #tpu.memory_space<hbm>> -> memref<81x128xi32, #tpu.memory_space<hbm>>
      tpu.enqueue_dma source(%dma_start3A_94 : memref<81x128xi32, #tpu.memory_space<hbm>>) target(%arg7 : memref<81x128xi32, #tpu.memory_space<vmem>>) target_semaphore(%run_scoped3A_86 : memref<!tpu.dma_semaphore, #tpu.memory_space<semaphore_mem>>)
      %dma_wait3A_95 = arith.constant 0 : i32
      %dma_wait3A_96 = arith.constant 0 : i32
      %dma_wait3A_97 = tpu.memref_slice %arg2[%arg0, %arg1, %dma_wait3A_95, %dma_wait3A_96] : memref<2x16x81x128xi32, #tpu.memory_space<hbm>> -> memref<1x1x81x128xi32, #tpu.memory_space<hbm>>
      %dma_wait3A_98 = tpu.memref_squeeze %dma_wait3A_97 : memref<1x1x81x128xi32, #tpu.memory_space<hbm>> -> memref<81x128xi32, #tpu.memory_space<hbm>>
      %dma_wait3A_99 = arith.constant 0 : i32
      %dma_wait3A_100 = arith.constant 0 : i32
      %dma_wait3A_101 = tpu.memref_slice %arg2[%arg0, %arg1, %dma_wait3A_99, %dma_wait3A_100] : memref<2x16x81x128xi32, #tpu.memory_space<hbm>> -> memref<1x1x81x128xi32, #tpu.memory_space<hbm>>
      %dma_wait3A_102 = tpu.memref_squeeze %dma_wait3A_101 : memref<1x1x81x128xi32, #tpu.memory_space<hbm>> -> memref<81x128xi32, #tpu.memory_space<hbm>>
      tpu.wait_dma2 semaphore(%run_scoped3A_86 : memref<!tpu.dma_semaphore, #tpu.memory_space<semaphore_mem>>) src(%dma_wait3A_102 : memref<81x128xi32, #tpu.memory_space<hbm>>) dst(%arg7 : memref<81x128xi32, #tpu.memory_space<vmem>>)
      tpu.yield
    }) : () -> ()
    "tpu.region"() ({
      %run_scoped3A_86 = tpu.sem_alloc : memref<!tpu.dma_semaphore, #tpu.memory_space<semaphore_mem>>
      %dma_start3A_87 = arith.constant 0 : i32
      %dma_start3A_88 = arith.constant 0 : i32
      %dma_start3A_89 = tpu.memref_slice %arg3[%arg0, %arg1, %dma_start3A_87, %dma_start3A_88] : memref<2x16x81x128xi32, #tpu.memory_space<hbm>> -> memref<1x1x81x128xi32, #tpu.memory_space<hbm>>
      %dma_start3A_90 = tpu.memref_squeeze %dma_start3A_89 : memref<1x1x81x128xi32, #tpu.memory_space<hbm>> -> memref<81x128xi32, #tpu.memory_space<hbm>>
      %dma_start3A_91 = arith.constant 0 : i32
      %dma_start3A_92 = arith.constant 0 : i32
      %dma_start3A_93 = tpu.memref_slice %arg3[%arg0, %arg1, %dma_start3A_91, %dma_start3A_92] : memref<2x16x81x128xi32, #tpu.memory_space<hbm>> -> memref<1x1x81x128xi32, #tpu.memory_space<hbm>>
      %dma_start3A_94 = tpu.memref_squeeze %dma_start3A_93 : memref<1x1x81x128xi32, #tpu.memory_space<hbm>> -> memref<81x128xi32, #tpu.memory_space<hbm>>
      tpu.enqueue_dma source(%dma_start3A_94 : memref<81x128xi32, #tpu.memory_space<hbm>>) target(%arg8 : memref<81x128xi32, #tpu.memory_space<vmem>>) target_semaphore(%run_scoped3A_86 : memref<!tpu.dma_semaphore, #tpu.memory_space<semaphore_mem>>)
      %dma_wait3A_95 = arith.constant 0 : i32
      %dma_wait3A_96 = arith.constant 0 : i32
      %dma_wait3A_97 = tpu.memref_slice %arg3[%arg0, %arg1, %dma_wait3A_95, %dma_wait3A_96] : memref<2x16x81x128xi32, #tpu.memory_space<hbm>> -> memref<1x1x81x128xi32, #tpu.memory_space<hbm>>
      %dma_wait3A_98 = tpu.memref_squeeze %dma_wait3A_97 : memref<1x1x81x128xi32, #tpu.memory_space<hbm>> -> memref<81x128xi32, #tpu.memory_space<hbm>>
      %dma_wait3A_99 = arith.constant 0 : i32
      %dma_wait3A_100 = arith.constant 0 : i32
      %dma_wait3A_101 = tpu.memref_slice %arg3[%arg0, %arg1, %dma_wait3A_99, %dma_wait3A_100] : memref<2x16x81x128xi32, #tpu.memory_space<hbm>> -> memref<1x1x81x128xi32, #tpu.memory_space<hbm>>
      %dma_wait3A_102 = tpu.memref_squeeze %dma_wait3A_101 : memref<1x1x81x128xi32, #tpu.memory_space<hbm>> -> memref<81x128xi32, #tpu.memory_space<hbm>>
      tpu.wait_dma2 semaphore(%run_scoped3A_86 : memref<!tpu.dma_semaphore, #tpu.memory_space<semaphore_mem>>) src(%dma_wait3A_102 : memref<81x128xi32, #tpu.memory_space<hbm>>) dst(%arg8 : memref<81x128xi32, #tpu.memory_space<vmem>>)
      tpu.yield
    }) : () -> ()
    %dma_start3A = arith.constant 0 : i32
    %dma_start3A_0 = arith.constant 0 : i32
    %dma_start3A_1 = arith.constant 0 : i32
    %dma_start3A_2 = arith.constant 0 : i32
    %dma_start3A_3 = tpu.memref_slice %arg9[%dma_start3A_0, %dma_start3A_1, %dma_start3A_2] : memref<3x128x8xf32, #tpu.memory_space<vmem>> -> memref<1x128x8xf32, #tpu.memory_space<vmem>>
    %dma_start3A_4 = tpu.memref_squeeze %dma_start3A_3 : memref<1x128x8xf32, #tpu.memory_space<vmem>> -> memref<128x8xf32, #tpu.memory_space<vmem>>
    %dma_start3A_5 = arith.constant 0 : i32
    %dma_start3A_6 = tpu.memref_slice %arg7[%dma_start3A, %dma_start3A_5] : memref<81x128xi32, #tpu.memory_space<vmem>> -> memref<1x128xi32, #tpu.memory_space<vmem>>
    %dma_start3A_7 = tpu.memref_squeeze %dma_start3A_6 : memref<1x128xi32, #tpu.memory_space<vmem>> -> memref<128xi32, #tpu.memory_space<vmem>>
    %dma_start3A_8 = arith.constant 0 : i32
    %dma_start3A_9 = arith.constant 0 : i32
    %dma_start3A_10 = tpu.memref_slice %arg4[%dma_start3A_8, %dma_start3A_9] : memref<10240x8xf32, #tpu.memory_space<hbm>> -> memref<10240x8xf32, #tpu.memory_space<hbm>>
    tpu.enqueue_indirect_dma source(%dma_start3A_10 : memref<10240x8xf32, #tpu.memory_space<hbm>>) target(%dma_start3A_4 : memref<128x8xf32, #tpu.memory_space<vmem>>) offsets(%dma_start3A_7 : memref<128xi32, #tpu.memory_space<vmem>>) semaphore(%arg12 : memref<!tpu.dma_semaphore, #tpu.memory_space<semaphore_mem>>)
    %dma_start3A_11 = arith.constant 1 : i32
    %dma_start3A_12 = arith.constant 1 : i32
    %dma_start3A_13 = arith.constant 0 : i32
    %dma_start3A_14 = arith.constant 0 : i32
    %dma_start3A_15 = tpu.memref_slice %arg9[%dma_start3A_12, %dma_start3A_13, %dma_start3A_14] : memref<3x128x8xf32, #tpu.memory_space<vmem>> -> memref<1x128x8xf32, #tpu.memory_space<vmem>>
    %dma_start3A_16 = tpu.memref_squeeze %dma_start3A_15 : memref<1x128x8xf32, #tpu.memory_space<vmem>> -> memref<128x8xf32, #tpu.memory_space<vmem>>
    %dma_start3A_17 = arith.constant 0 : i32
    %dma_start3A_18 = tpu.memref_slice %arg7[%dma_start3A_11, %dma_start3A_17] : memref<81x128xi32, #tpu.memory_space<vmem>> -> memref<1x128xi32, #tpu.memory_space<vmem>>
    %dma_start3A_19 = tpu.memref_squeeze %dma_start3A_18 : memref<1x128xi32, #tpu.memory_space<vmem>> -> memref<128xi32, #tpu.memory_space<vmem>>
    %dma_start3A_20 = arith.constant 0 : i32
    %dma_start3A_21 = arith.constant 0 : i32
    %dma_start3A_22 = tpu.memref_slice %arg4[%dma_start3A_20, %dma_start3A_21] : memref<10240x8xf32, #tpu.memory_space<hbm>> -> memref<10240x8xf32, #tpu.memory_space<hbm>>
    tpu.enqueue_indirect_dma source(%dma_start3A_22 : memref<10240x8xf32, #tpu.memory_space<hbm>>) target(%dma_start3A_16 : memref<128x8xf32, #tpu.memory_space<vmem>>) offsets(%dma_start3A_19 : memref<128xi32, #tpu.memory_space<vmem>>) semaphore(%arg13 : memref<!tpu.dma_semaphore, #tpu.memory_space<semaphore_mem>>)
    %dma_start3A_23 = arith.constant 2 : i32
    %dma_start3A_24 = arith.constant 2 : i32
    %dma_start3A_25 = arith.constant 0 : i32
    %dma_start3A_26 = arith.constant 0 : i32
    %dma_start3A_27 = tpu.memref_slice %arg9[%dma_start3A_24, %dma_start3A_25, %dma_start3A_26] : memref<3x128x8xf32, #tpu.memory_space<vmem>> -> memref<1x128x8xf32, #tpu.memory_space<vmem>>
    %dma_start3A_28 = tpu.memref_squeeze %dma_start3A_27 : memref<1x128x8xf32, #tpu.memory_space<vmem>> -> memref<128x8xf32, #tpu.memory_space<vmem>>
    %dma_start3A_29 = arith.constant 0 : i32
    %dma_start3A_30 = tpu.memref_slice %arg7[%dma_start3A_23, %dma_start3A_29] : memref<81x128xi32, #tpu.memory_space<vmem>> -> memref<1x128xi32, #tpu.memory_space<vmem>>
    %dma_start3A_31 = tpu.memref_squeeze %dma_start3A_30 : memref<1x128xi32, #tpu.memory_space<vmem>> -> memref<128xi32, #tpu.memory_space<vmem>>
    %dma_start3A_32 = arith.constant 0 : i32
    %dma_start3A_33 = arith.constant 0 : i32
    %dma_start3A_34 = tpu.memref_slice %arg4[%dma_start3A_32, %dma_start3A_33] : memref<10240x8xf32, #tpu.memory_space<hbm>> -> memref<10240x8xf32, #tpu.memory_space<hbm>>
    tpu.enqueue_indirect_dma source(%dma_start3A_34 : memref<10240x8xf32, #tpu.memory_space<hbm>>) target(%dma_start3A_28 : memref<128x8xf32, #tpu.memory_space<vmem>>) offsets(%dma_start3A_31 : memref<128xi32, #tpu.memory_space<vmem>>) semaphore(%arg14 : memref<!tpu.dma_semaphore, #tpu.memory_space<semaphore_mem>>)
    "tpu.region"() ({
      %run_scoped3A_86 = tpu.sem_alloc : memref<!tpu.dma_semaphore, #tpu.memory_space<semaphore_mem>>
      tpu.enqueue_dma source(%arg5 : memref<640x8xf32, #tpu.memory_space<hbm>>) target(%arg10 : memref<640x8xf32, #tpu.memory_space<vmem>>) target_semaphore(%run_scoped3A_86 : memref<!tpu.dma_semaphore, #tpu.memory_space<semaphore_mem>>)
      tpu.wait_dma2 semaphore(%run_scoped3A_86 : memref<!tpu.dma_semaphore, #tpu.memory_space<semaphore_mem>>) src(%arg5 : memref<640x8xf32, #tpu.memory_space<hbm>>) dst(%arg10 : memref<640x8xf32, #tpu.memory_space<vmem>>)
      tpu.yield
    }) : () -> ()
    %mul3A = arith.constant 640 : i32
    %mul3A_35 = arith.muli %arg1, %mul3A : i32
    "tpu.region"() ({
      %run_scoped3A_86 = tpu.sem_alloc : memref<!tpu.dma_semaphore, #tpu.memory_space<semaphore_mem>>
      %dma_start3A_87 = arith.constant 0 : i32
      %dma_start3A_88 = tpu.memref_slice %arg11[%mul3A_35, %dma_start3A_87] : memref<10240x8xf32, #tpu.memory_space<vmem_shared>> -> memref<640x8xf32, #tpu.memory_space<vmem_shared>>
      %dma_start3A_89 = arith.constant 0 : i32
      %dma_start3A_90 = tpu.memref_slice %arg11[%mul3A_35, %dma_start3A_89] : memref<10240x8xf32, #tpu.memory_space<vmem_shared>> -> memref<640x8xf32, #tpu.memory_space<vmem_shared>>
      tpu.enqueue_dma source(%arg10 : memref<640x8xf32, #tpu.memory_space<vmem>>) target(%dma_start3A_90 : memref<640x8xf32, #tpu.memory_space<vmem_shared>>) target_semaphore(%run_scoped3A_86 : memref<!tpu.dma_semaphore, #tpu.memory_space<semaphore_mem>>)
      %dma_wait3A_91 = arith.constant 0 : i32
      %dma_wait3A_92 = tpu.memref_slice %arg11[%mul3A_35, %dma_wait3A_91] : memref<10240x8xf32, #tpu.memory_space<vmem_shared>> -> memref<640x8xf32, #tpu.memory_space<vmem_shared>>
      %dma_wait3A_93 = arith.constant 0 : i32
      %dma_wait3A_94 = tpu.memref_slice %arg11[%mul3A_35, %dma_wait3A_93] : memref<10240x8xf32, #tpu.memory_space<vmem_shared>> -> memref<640x8xf32, #tpu.memory_space<vmem_shared>>
      tpu.wait_dma2 semaphore(%run_scoped3A_86 : memref<!tpu.dma_semaphore, #tpu.memory_space<semaphore_mem>>) src(%arg10 : memref<640x8xf32, #tpu.memory_space<vmem>>) dst(%dma_wait3A_94 : memref<640x8xf32, #tpu.memory_space<vmem_shared>>)
      tpu.yield
    }) : () -> ()
    %barrier3A = arith.constant 0 : index
    tpu.barrier barrier_id(%barrier3A)
    %scan3A = arith.constant 0 : i32
    %scan3A_36 = arith.constant 0 : i32
    %scan3A_37 = arith.constant 26 : i32
    %scan3A_38 = arith.addi %scan3A_36, %scan3A_37 : i32
    %scan3A_39 = arith.constant 1 : i32
    scf.for %scan3A_86 = %scan3A_36 to %scan3A_38 step %scan3A_39  : i32 {
      %mul3A_87 = arith.constant 3 : i32
      %mul3A_88 = arith.muli %scan3A_86, %mul3A_87 : i32
      %add3A = arith.constant 0 : i32
      %add3A_89 = arith.addi %mul3A_88, %add3A : i32
      %dma_wait3A_90 = arith.constant 0 : i32
      %dma_wait3A_91 = arith.constant 0 : i32
      %dma_wait3A_92 = arith.constant 0 : i32
      %dma_wait3A_93 = arith.constant 0 : i32
      %dma_wait3A_94 = tpu.memref_slice %arg9[%dma_wait3A_91, %dma_wait3A_92, %dma_wait3A_93] : memref<3x128x8xf32, #tpu.memory_space<vmem>> -> memref<1x128x8xf32, #tpu.memory_space<vmem>>
      %dma_wait3A_95 = tpu.memref_squeeze %dma_wait3A_94 : memref<1x128x8xf32, #tpu.memory_space<vmem>> -> memref<128x8xf32, #tpu.memory_space<vmem>>
      %dma_wait3A_96 = arith.constant 0 : i32
      %dma_wait3A_97 = tpu.memref_slice %arg7[%dma_wait3A_90, %dma_wait3A_96] : memref<81x128xi32, #tpu.memory_space<vmem>> -> memref<1x128xi32, #tpu.memory_space<vmem>>
      %dma_wait3A_98 = tpu.memref_squeeze %dma_wait3A_97 : memref<1x128xi32, #tpu.memory_space<vmem>> -> memref<128xi32, #tpu.memory_space<vmem>>
      %dma_wait3A_99 = arith.constant 0 : i32
      %dma_wait3A_100 = arith.constant 0 : i32
      %dma_wait3A_101 = tpu.memref_slice %arg4[%dma_wait3A_99, %dma_wait3A_100] : memref<10240x8xf32, #tpu.memory_space<hbm>> -> memref<10240x8xf32, #tpu.memory_space<hbm>>
      tpu.wait_indirect_dma semaphore(%arg12 : memref<!tpu.dma_semaphore, #tpu.memory_space<semaphore_mem>>) src(%dma_wait3A_101 : memref<10240x8xf32, #tpu.memory_space<hbm>>) dst(%dma_wait3A_95 : memref<128x8xf32, #tpu.memory_space<vmem>>)
      %run_scoped3A_102 = arith.constant 0 : i32
      "tpu.region"() ({
        %run_scoped3A_176 = tpu.sem_alloc : memref<!tpu.dma_semaphore, #tpu.memory_space<semaphore_mem>>
        %dma_start3A_177 = arith.constant 0 : i32
        %dma_start3A_178 = arith.constant 0 : i32
        %dma_start3A_179 = tpu.memref_slice %arg9[%run_scoped3A_102, %dma_start3A_177, %dma_start3A_178] : memref<3x128x8xf32, #tpu.memory_space<vmem>> -> memref<1x128x8xf32, #tpu.memory_space<vmem>>
        %dma_start3A_180 = tpu.memref_squeeze %dma_start3A_179 : memref<1x128x8xf32, #tpu.memory_space<vmem>> -> memref<128x8xf32, #tpu.memory_space<vmem>>
        %dma_start3A_181 = arith.constant 0 : i32
        %dma_start3A_182 = tpu.memref_slice %arg8[%add3A_89, %dma_start3A_181] : memref<81x128xi32, #tpu.memory_space<vmem>> -> memref<1x128xi32, #tpu.memory_space<vmem>>
        %dma_start3A_183 = tpu.memref_squeeze %dma_start3A_182 : memref<1x128xi32, #tpu.memory_space<vmem>> -> memref<128xi32, #tpu.memory_space<vmem>>
        %dma_start3A_184 = arith.constant 0 : i32
        %dma_start3A_185 = arith.constant 0 : i32
        %dma_start3A_186 = tpu.memref_slice %arg11[%dma_start3A_184, %dma_start3A_185] : memref<10240x8xf32, #tpu.memory_space<vmem_shared>> -> memref<10240x8xf32, #tpu.memory_space<vmem_shared>>
        tpu.enqueue_indirect_dma source(%dma_start3A_180 : memref<128x8xf32, #tpu.memory_space<vmem>>) target(%dma_start3A_186 : memref<10240x8xf32, #tpu.memory_space<vmem_shared>>) offsets(%dma_start3A_183 : memref<128xi32, #tpu.memory_space<vmem>>) semaphore(%run_scoped3A_176 : memref<!tpu.dma_semaphore, #tpu.memory_space<semaphore_mem>>) {add = true}
        %dma_wait3A_187 = arith.constant 0 : i32
        %dma_wait3A_188 = arith.constant 0 : i32
        %dma_wait3A_189 = tpu.memref_slice %arg9[%run_scoped3A_102, %dma_wait3A_187, %dma_wait3A_188] : memref<3x128x8xf32, #tpu.memory_space<vmem>> -> memref<1x128x8xf32, #tpu.memory_space<vmem>>
        %dma_wait3A_190 = tpu.memref_squeeze %dma_wait3A_189 : memref<1x128x8xf32, #tpu.memory_space<vmem>> -> memref<128x8xf32, #tpu.memory_space<vmem>>
        %dma_wait3A_191 = arith.constant 0 : i32
        %dma_wait3A_192 = tpu.memref_slice %arg8[%add3A_89, %dma_wait3A_191] : memref<81x128xi32, #tpu.memory_space<vmem>> -> memref<1x128xi32, #tpu.memory_space<vmem>>
        %dma_wait3A_193 = tpu.memref_squeeze %dma_wait3A_192 : memref<1x128xi32, #tpu.memory_space<vmem>> -> memref<128xi32, #tpu.memory_space<vmem>>
        %dma_wait3A_194 = arith.constant 0 : i32
        %dma_wait3A_195 = arith.constant 0 : i32
        %dma_wait3A_196 = tpu.memref_slice %arg11[%dma_wait3A_194, %dma_wait3A_195] : memref<10240x8xf32, #tpu.memory_space<vmem_shared>> -> memref<10240x8xf32, #tpu.memory_space<vmem_shared>>
        tpu.wait_indirect_dma semaphore(%run_scoped3A_176 : memref<!tpu.dma_semaphore, #tpu.memory_space<semaphore_mem>>) src(%dma_wait3A_190 : memref<128x8xf32, #tpu.memory_space<vmem>>) dst(%dma_wait3A_196 : memref<10240x8xf32, #tpu.memory_space<vmem_shared>>)
        tpu.yield
      }) : () -> ()
      %add3A_103 = arith.constant 3 : i32
      %add3A_104 = arith.addi %add3A_89, %add3A_103 : i32
      %dma_start3A_105 = arith.constant 0 : i32
      %dma_start3A_106 = arith.constant 0 : i32
      %dma_start3A_107 = arith.constant 0 : i32
      %dma_start3A_108 = tpu.memref_slice %arg9[%dma_start3A_105, %dma_start3A_106, %dma_start3A_107] : memref<3x128x8xf32, #tpu.memory_space<vmem>> -> memref<1x128x8xf32, #tpu.memory_space<vmem>>
      %dma_start3A_109 = tpu.memref_squeeze %dma_start3A_108 : memref<1x128x8xf32, #tpu.memory_space<vmem>> -> memref<128x8xf32, #tpu.memory_space<vmem>>
      %dma_start3A_110 = arith.constant 0 : i32
      %dma_start3A_111 = tpu.memref_slice %arg7[%add3A_104, %dma_start3A_110] : memref<81x128xi32, #tpu.memory_space<vmem>> -> memref<1x128xi32, #tpu.memory_space<vmem>>
      %dma_start3A_112 = tpu.memref_squeeze %dma_start3A_111 : memref<1x128xi32, #tpu.memory_space<vmem>> -> memref<128xi32, #tpu.memory_space<vmem>>
      %dma_start3A_113 = arith.constant 0 : i32
      %dma_start3A_114 = arith.constant 0 : i32
      %dma_start3A_115 = tpu.memref_slice %arg4[%dma_start3A_113, %dma_start3A_114] : memref<10240x8xf32, #tpu.memory_space<hbm>> -> memref<10240x8xf32, #tpu.memory_space<hbm>>
      tpu.enqueue_indirect_dma source(%dma_start3A_115 : memref<10240x8xf32, #tpu.memory_space<hbm>>) target(%dma_start3A_109 : memref<128x8xf32, #tpu.memory_space<vmem>>) offsets(%dma_start3A_112 : memref<128xi32, #tpu.memory_space<vmem>>) semaphore(%arg12 : memref<!tpu.dma_semaphore, #tpu.memory_space<semaphore_mem>>)
      %mul3A_116 = arith.constant 3 : i32
      %mul3A_117 = arith.muli %scan3A_86, %mul3A_116 : i32
      %add3A_118 = arith.constant 1 : i32
      %add3A_119 = arith.addi %mul3A_117, %add3A_118 : i32
      %dma_wait3A_120 = arith.constant 1 : i32
      %dma_wait3A_121 = arith.constant 1 : i32
      %dma_wait3A_122 = arith.constant 0 : i32
      %dma_wait3A_123 = arith.constant 0 : i32
      %dma_wait3A_124 = tpu.memref_slice %arg9[%dma_wait3A_121, %dma_wait3A_122, %dma_wait3A_123] : memref<3x128x8xf32, #tpu.memory_space<vmem>> -> memref<1x128x8xf32, #tpu.memory_space<vmem>>
      %dma_wait3A_125 = tpu.memref_squeeze %dma_wait3A_124 : memref<1x128x8xf32, #tpu.memory_space<vmem>> -> memref<128x8xf32, #tpu.memory_space<vmem>>
      %dma_wait3A_126 = arith.constant 0 : i32
      %dma_wait3A_127 = tpu.memref_slice %arg7[%dma_wait3A_120, %dma_wait3A_126] : memref<81x128xi32, #tpu.memory_space<vmem>> -> memref<1x128xi32, #tpu.memory_space<vmem>>
      %dma_wait3A_128 = tpu.memref_squeeze %dma_wait3A_127 : memref<1x128xi32, #tpu.memory_space<vmem>> -> memref<128xi32, #tpu.memory_space<vmem>>
      %dma_wait3A_129 = arith.constant 0 : i32
      %dma_wait3A_130 = arith.constant 0 : i32
      %dma_wait3A_131 = tpu.memref_slice %arg4[%dma_wait3A_129, %dma_wait3A_130] : memref<10240x8xf32, #tpu.memory_space<hbm>> -> memref<10240x8xf32, #tpu.memory_space<hbm>>
      tpu.wait_indirect_dma semaphore(%arg13 : memref<!tpu.dma_semaphore, #tpu.memory_space<semaphore_mem>>) src(%dma_wait3A_131 : memref<10240x8xf32, #tpu.memory_space<hbm>>) dst(%dma_wait3A_125 : memref<128x8xf32, #tpu.memory_space<vmem>>)
      %run_scoped3A_132 = arith.constant 1 : i32
      "tpu.region"() ({
        %run_scoped3A_176 = tpu.sem_alloc : memref<!tpu.dma_semaphore, #tpu.memory_space<semaphore_mem>>
        %dma_start3A_177 = arith.constant 0 : i32
        %dma_start3A_178 = arith.constant 0 : i32
        %dma_start3A_179 = tpu.memref_slice %arg9[%run_scoped3A_132, %dma_start3A_177, %dma_start3A_178] : memref<3x128x8xf32, #tpu.memory_space<vmem>> -> memref<1x128x8xf32, #tpu.memory_space<vmem>>
        %dma_start3A_180 = tpu.memref_squeeze %dma_start3A_179 : memref<1x128x8xf32, #tpu.memory_space<vmem>> -> memref<128x8xf32, #tpu.memory_space<vmem>>
        %dma_start3A_181 = arith.constant 0 : i32
        %dma_start3A_182 = tpu.memref_slice %arg8[%add3A_119, %dma_start3A_181] : memref<81x128xi32, #tpu.memory_space<vmem>> -> memref<1x128xi32, #tpu.memory_space<vmem>>
        %dma_start3A_183 = tpu.memref_squeeze %dma_start3A_182 : memref<1x128xi32, #tpu.memory_space<vmem>> -> memref<128xi32, #tpu.memory_space<vmem>>
        %dma_start3A_184 = arith.constant 0 : i32
        %dma_start3A_185 = arith.constant 0 : i32
        %dma_start3A_186 = tpu.memref_slice %arg11[%dma_start3A_184, %dma_start3A_185] : memref<10240x8xf32, #tpu.memory_space<vmem_shared>> -> memref<10240x8xf32, #tpu.memory_space<vmem_shared>>
        tpu.enqueue_indirect_dma source(%dma_start3A_180 : memref<128x8xf32, #tpu.memory_space<vmem>>) target(%dma_start3A_186 : memref<10240x8xf32, #tpu.memory_space<vmem_shared>>) offsets(%dma_start3A_183 : memref<128xi32, #tpu.memory_space<vmem>>) semaphore(%run_scoped3A_176 : memref<!tpu.dma_semaphore, #tpu.memory_space<semaphore_mem>>) {add = true}
        %dma_wait3A_187 = arith.constant 0 : i32
        %dma_wait3A_188 = arith.constant 0 : i32
        %dma_wait3A_189 = tpu.memref_slice %arg9[%run_scoped3A_132, %dma_wait3A_187, %dma_wait3A_188] : memref<3x128x8xf32, #tpu.memory_space<vmem>> -> memref<1x128x8xf32, #tpu.memory_space<vmem>>
        %dma_wait3A_190 = tpu.memref_squeeze %dma_wait3A_189 : memref<1x128x8xf32, #tpu.memory_space<vmem>> -> memref<128x8xf32, #tpu.memory_space<vmem>>
        %dma_wait3A_191 = arith.constant 0 : i32
        %dma_wait3A_192 = tpu.memref_slice %arg8[%add3A_119, %dma_wait3A_191] : memref<81x128xi32, #tpu.memory_space<vmem>> -> memref<1x128xi32, #tpu.memory_space<vmem>>
        %dma_wait3A_193 = tpu.memref_squeeze %dma_wait3A_192 : memref<1x128xi32, #tpu.memory_space<vmem>> -> memref<128xi32, #tpu.memory_space<vmem>>
        %dma_wait3A_194 = arith.constant 0 : i32
        %dma_wait3A_195 = arith.constant 0 : i32
        %dma_wait3A_196 = tpu.memref_slice %arg11[%dma_wait3A_194, %dma_wait3A_195] : memref<10240x8xf32, #tpu.memory_space<vmem_shared>> -> memref<10240x8xf32, #tpu.memory_space<vmem_shared>>
        tpu.wait_indirect_dma semaphore(%run_scoped3A_176 : memref<!tpu.dma_semaphore, #tpu.memory_space<semaphore_mem>>) src(%dma_wait3A_190 : memref<128x8xf32, #tpu.memory_space<vmem>>) dst(%dma_wait3A_196 : memref<10240x8xf32, #tpu.memory_space<vmem_shared>>)
        tpu.yield
      }) : () -> ()
      %add3A_133 = arith.constant 3 : i32
      %add3A_134 = arith.addi %add3A_119, %add3A_133 : i32
      %dma_start3A_135 = arith.constant 1 : i32
      %dma_start3A_136 = arith.constant 0 : i32
      %dma_start3A_137 = arith.constant 0 : i32
      %dma_start3A_138 = tpu.memref_slice %arg9[%dma_start3A_135, %dma_start3A_136, %dma_start3A_137] : memref<3x128x8xf32, #tpu.memory_space<vmem>> -> memref<1x128x8xf32, #tpu.memory_space<vmem>>
      %dma_start3A_139 = tpu.memref_squeeze %dma_start3A_138 : memref<1x128x8xf32, #tpu.memory_space<vmem>> -> memref<128x8xf32, #tpu.memory_space<vmem>>
      %dma_start3A_140 = arith.constant 0 : i32
      %dma_start3A_141 = tpu.memref_slice %arg7[%add3A_134, %dma_start3A_140] : memref<81x128xi32, #tpu.memory_space<vmem>> -> memref<1x128xi32, #tpu.memory_space<vmem>>
      %dma_start3A_142 = tpu.memref_squeeze %dma_start3A_141 : memref<1x128xi32, #tpu.memory_space<vmem>> -> memref<128xi32, #tpu.memory_space<vmem>>
      %dma_start3A_143 = arith.constant 0 : i32
      %dma_start3A_144 = arith.constant 0 : i32
      %dma_start3A_145 = tpu.memref_slice %arg4[%dma_start3A_143, %dma_start3A_144] : memref<10240x8xf32, #tpu.memory_space<hbm>> -> memref<10240x8xf32, #tpu.memory_space<hbm>>
      tpu.enqueue_indirect_dma source(%dma_start3A_145 : memref<10240x8xf32, #tpu.memory_space<hbm>>) target(%dma_start3A_139 : memref<128x8xf32, #tpu.memory_space<vmem>>) offsets(%dma_start3A_142 : memref<128xi32, #tpu.memory_space<vmem>>) semaphore(%arg13 : memref<!tpu.dma_semaphore, #tpu.memory_space<semaphore_mem>>)
      %mul3A_146 = arith.constant 3 : i32
      %mul3A_147 = arith.muli %scan3A_86, %mul3A_146 : i32
      %add3A_148 = arith.constant 2 : i32
      %add3A_149 = arith.addi %mul3A_147, %add3A_148 : i32
      %dma_wait3A_150 = arith.constant 2 : i32
      %dma_wait3A_151 = arith.constant 2 : i32
      %dma_wait3A_152 = arith.constant 0 : i32
      %dma_wait3A_153 = arith.constant 0 : i32
      %dma_wait3A_154 = tpu.memref_slice %arg9[%dma_wait3A_151, %dma_wait3A_152, %dma_wait3A_153] : memref<3x128x8xf32, #tpu.memory_space<vmem>> -> memref<1x128x8xf32, #tpu.memory_space<vmem>>
      %dma_wait3A_155 = tpu.memref_squeeze %dma_wait3A_154 : memref<1x128x8xf32, #tpu.memory_space<vmem>> -> memref<128x8xf32, #tpu.memory_space<vmem>>
      %dma_wait3A_156 = arith.constant 0 : i32
      %dma_wait3A_157 = tpu.memref_slice %arg7[%dma_wait3A_150, %dma_wait3A_156] : memref<81x128xi32, #tpu.memory_space<vmem>> -> memref<1x128xi32, #tpu.memory_space<vmem>>
      %dma_wait3A_158 = tpu.memref_squeeze %dma_wait3A_157 : memref<1x128xi32, #tpu.memory_space<vmem>> -> memref<128xi32, #tpu.memory_space<vmem>>
      %dma_wait3A_159 = arith.constant 0 : i32
      %dma_wait3A_160 = arith.constant 0 : i32
      %dma_wait3A_161 = tpu.memref_slice %arg4[%dma_wait3A_159, %dma_wait3A_160] : memref<10240x8xf32, #tpu.memory_space<hbm>> -> memref<10240x8xf32, #tpu.memory_space<hbm>>
      tpu.wait_indirect_dma semaphore(%arg14 : memref<!tpu.dma_semaphore, #tpu.memory_space<semaphore_mem>>) src(%dma_wait3A_161 : memref<10240x8xf32, #tpu.memory_space<hbm>>) dst(%dma_wait3A_155 : memref<128x8xf32, #tpu.memory_space<vmem>>)
      %run_scoped3A_162 = arith.constant 2 : i32
      "tpu.region"() ({
        %run_scoped3A_176 = tpu.sem_alloc : memref<!tpu.dma_semaphore, #tpu.memory_space<semaphore_mem>>
        %dma_start3A_177 = arith.constant 0 : i32
        %dma_start3A_178 = arith.constant 0 : i32
        %dma_start3A_179 = tpu.memref_slice %arg9[%run_scoped3A_162, %dma_start3A_177, %dma_start3A_178] : memref<3x128x8xf32, #tpu.memory_space<vmem>> -> memref<1x128x8xf32, #tpu.memory_space<vmem>>
        %dma_start3A_180 = tpu.memref_squeeze %dma_start3A_179 : memref<1x128x8xf32, #tpu.memory_space<vmem>> -> memref<128x8xf32, #tpu.memory_space<vmem>>
        %dma_start3A_181 = arith.constant 0 : i32
        %dma_start3A_182 = tpu.memref_slice %arg8[%add3A_149, %dma_start3A_181] : memref<81x128xi32, #tpu.memory_space<vmem>> -> memref<1x128xi32, #tpu.memory_space<vmem>>
        %dma_start3A_183 = tpu.memref_squeeze %dma_start3A_182 : memref<1x128xi32, #tpu.memory_space<vmem>> -> memref<128xi32, #tpu.memory_space<vmem>>
        %dma_start3A_184 = arith.constant 0 : i32
        %dma_start3A_185 = arith.constant 0 : i32
        %dma_start3A_186 = tpu.memref_slice %arg11[%dma_start3A_184, %dma_start3A_185] : memref<10240x8xf32, #tpu.memory_space<vmem_shared>> -> memref<10240x8xf32, #tpu.memory_space<vmem_shared>>
        tpu.enqueue_indirect_dma source(%dma_start3A_180 : memref<128x8xf32, #tpu.memory_space<vmem>>) target(%dma_start3A_186 : memref<10240x8xf32, #tpu.memory_space<vmem_shared>>) offsets(%dma_start3A_183 : memref<128xi32, #tpu.memory_space<vmem>>) semaphore(%run_scoped3A_176 : memref<!tpu.dma_semaphore, #tpu.memory_space<semaphore_mem>>) {add = true}
        %dma_wait3A_187 = arith.constant 0 : i32
        %dma_wait3A_188 = arith.constant 0 : i32
        %dma_wait3A_189 = tpu.memref_slice %arg9[%run_scoped3A_162, %dma_wait3A_187, %dma_wait3A_188] : memref<3x128x8xf32, #tpu.memory_space<vmem>> -> memref<1x128x8xf32, #tpu.memory_space<vmem>>
        %dma_wait3A_190 = tpu.memref_squeeze %dma_wait3A_189 : memref<1x128x8xf32, #tpu.memory_space<vmem>> -> memref<128x8xf32, #tpu.memory_space<vmem>>
        %dma_wait3A_191 = arith.constant 0 : i32
        %dma_wait3A_192 = tpu.memref_slice %arg8[%add3A_149, %dma_wait3A_191] : memref<81x128xi32, #tpu.memory_space<vmem>> -> memref<1x128xi32, #tpu.memory_space<vmem>>
        %dma_wait3A_193 = tpu.memref_squeeze %dma_wait3A_192 : memref<1x128xi32, #tpu.memory_space<vmem>> -> memref<128xi32, #tpu.memory_space<vmem>>
        %dma_wait3A_194 = arith.constant 0 : i32
        %dma_wait3A_195 = arith.constant 0 : i32
        %dma_wait3A_196 = tpu.memref_slice %arg11[%dma_wait3A_194, %dma_wait3A_195] : memref<10240x8xf32, #tpu.memory_space<vmem_shared>> -> memref<10240x8xf32, #tpu.memory_space<vmem_shared>>
        tpu.wait_indirect_dma semaphore(%run_scoped3A_176 : memref<!tpu.dma_semaphore, #tpu.memory_space<semaphore_mem>>) src(%dma_wait3A_190 : memref<128x8xf32, #tpu.memory_space<vmem>>) dst(%dma_wait3A_196 : memref<10240x8xf32, #tpu.memory_space<vmem_shared>>)
        tpu.yield
      }) : () -> ()
      %add3A_163 = arith.constant 3 : i32
      %add3A_164 = arith.addi %add3A_149, %add3A_163 : i32
      %dma_start3A_165 = arith.constant 2 : i32
      %dma_start3A_166 = arith.constant 0 : i32
      %dma_start3A_167 = arith.constant 0 : i32
      %dma_start3A_168 = tpu.memref_slice %arg9[%dma_start3A_165, %dma_start3A_166, %dma_start3A_167] : memref<3x128x8xf32, #tpu.memory_space<vmem>> -> memref<1x128x8xf32, #tpu.memory_space<vmem>>
      %dma_start3A_169 = tpu.memref_squeeze %dma_start3A_168 : memref<1x128x8xf32, #tpu.memory_space<vmem>> -> memref<128x8xf32, #tpu.memory_space<vmem>>
      %dma_start3A_170 = arith.constant 0 : i32
      %dma_start3A_171 = tpu.memref_slice %arg7[%add3A_164, %dma_start3A_170] : memref<81x128xi32, #tpu.memory_space<vmem>> -> memref<1x128xi32, #tpu.memory_space<vmem>>
      %dma_start3A_172 = tpu.memref_squeeze %dma_start3A_171 : memref<1x128xi32, #tpu.memory_space<vmem>> -> memref<128xi32, #tpu.memory_space<vmem>>
      %dma_start3A_173 = arith.constant 0 : i32
      %dma_start3A_174 = arith.constant 0 : i32
      %dma_start3A_175 = tpu.memref_slice %arg4[%dma_start3A_173, %dma_start3A_174] : memref<10240x8xf32, #tpu.memory_space<hbm>> -> memref<10240x8xf32, #tpu.memory_space<hbm>>
      tpu.enqueue_indirect_dma source(%dma_start3A_175 : memref<10240x8xf32, #tpu.memory_space<hbm>>) target(%dma_start3A_169 : memref<128x8xf32, #tpu.memory_space<vmem>>) offsets(%dma_start3A_172 : memref<128xi32, #tpu.memory_space<vmem>>) semaphore(%arg14 : memref<!tpu.dma_semaphore, #tpu.memory_space<semaphore_mem>>)
    }
    %scan3A_40 = arith.constant 26 : i32
    %dma_wait3A = arith.constant 0 : i32
    %dma_wait3A_41 = arith.constant 0 : i32
    %dma_wait3A_42 = arith.constant 0 : i32
    %dma_wait3A_43 = arith.constant 0 : i32
    %dma_wait3A_44 = tpu.memref_slice %arg9[%dma_wait3A_41, %dma_wait3A_42, %dma_wait3A_43] : memref<3x128x8xf32, #tpu.memory_space<vmem>> -> memref<1x128x8xf32, #tpu.memory_space<vmem>>
    %dma_wait3A_45 = tpu.memref_squeeze %dma_wait3A_44 : memref<1x128x8xf32, #tpu.memory_space<vmem>> -> memref<128x8xf32, #tpu.memory_space<vmem>>
    %dma_wait3A_46 = arith.constant 0 : i32
    %dma_wait3A_47 = tpu.memref_slice %arg7[%dma_wait3A, %dma_wait3A_46] : memref<81x128xi32, #tpu.memory_space<vmem>> -> memref<1x128xi32, #tpu.memory_space<vmem>>
    %dma_wait3A_48 = tpu.memref_squeeze %dma_wait3A_47 : memref<1x128xi32, #tpu.memory_space<vmem>> -> memref<128xi32, #tpu.memory_space<vmem>>
    %dma_wait3A_49 = arith.constant 0 : i32
    %dma_wait3A_50 = arith.constant 0 : i32
    %dma_wait3A_51 = tpu.memref_slice %arg4[%dma_wait3A_49, %dma_wait3A_50] : memref<10240x8xf32, #tpu.memory_space<hbm>> -> memref<10240x8xf32, #tpu.memory_space<hbm>>
    tpu.wait_indirect_dma semaphore(%arg12 : memref<!tpu.dma_semaphore, #tpu.memory_space<semaphore_mem>>) src(%dma_wait3A_51 : memref<10240x8xf32, #tpu.memory_space<hbm>>) dst(%dma_wait3A_45 : memref<128x8xf32, #tpu.memory_space<vmem>>)
    %run_scoped3A = arith.constant 0 : i32
    %run_scoped3A_52 = arith.constant 78 : i32
    "tpu.region"() ({
      %run_scoped3A_86 = tpu.sem_alloc : memref<!tpu.dma_semaphore, #tpu.memory_space<semaphore_mem>>
      %dma_start3A_87 = arith.constant 0 : i32
      %dma_start3A_88 = arith.constant 0 : i32
      %dma_start3A_89 = tpu.memref_slice %arg9[%run_scoped3A, %dma_start3A_87, %dma_start3A_88] : memref<3x128x8xf32, #tpu.memory_space<vmem>> -> memref<1x128x8xf32, #tpu.memory_space<vmem>>
      %dma_start3A_90 = tpu.memref_squeeze %dma_start3A_89 : memref<1x128x8xf32, #tpu.memory_space<vmem>> -> memref<128x8xf32, #tpu.memory_space<vmem>>
      %dma_start3A_91 = arith.constant 0 : i32
      %dma_start3A_92 = tpu.memref_slice %arg8[%run_scoped3A_52, %dma_start3A_91] : memref<81x128xi32, #tpu.memory_space<vmem>> -> memref<1x128xi32, #tpu.memory_space<vmem>>
      %dma_start3A_93 = tpu.memref_squeeze %dma_start3A_92 : memref<1x128xi32, #tpu.memory_space<vmem>> -> memref<128xi32, #tpu.memory_space<vmem>>
      %dma_start3A_94 = arith.constant 0 : i32
      %dma_start3A_95 = arith.constant 0 : i32
      %dma_start3A_96 = tpu.memref_slice %arg11[%dma_start3A_94, %dma_start3A_95] : memref<10240x8xf32, #tpu.memory_space<vmem_shared>> -> memref<10240x8xf32, #tpu.memory_space<vmem_shared>>
      tpu.enqueue_indirect_dma source(%dma_start3A_90 : memref<128x8xf32, #tpu.memory_space<vmem>>) target(%dma_start3A_96 : memref<10240x8xf32, #tpu.memory_space<vmem_shared>>) offsets(%dma_start3A_93 : memref<128xi32, #tpu.memory_space<vmem>>) semaphore(%run_scoped3A_86 : memref<!tpu.dma_semaphore, #tpu.memory_space<semaphore_mem>>) {add = true}
      %dma_wait3A_97 = arith.constant 0 : i32
      %dma_wait3A_98 = arith.constant 0 : i32
      %dma_wait3A_99 = tpu.memref_slice %arg9[%run_scoped3A, %dma_wait3A_97, %dma_wait3A_98] : memref<3x128x8xf32, #tpu.memory_space<vmem>> -> memref<1x128x8xf32, #tpu.memory_space<vmem>>
      %dma_wait3A_100 = tpu.memref_squeeze %dma_wait3A_99 : memref<1x128x8xf32, #tpu.memory_space<vmem>> -> memref<128x8xf32, #tpu.memory_space<vmem>>
      %dma_wait3A_101 = arith.constant 0 : i32
      %dma_wait3A_102 = tpu.memref_slice %arg8[%run_scoped3A_52, %dma_wait3A_101] : memref<81x128xi32, #tpu.memory_space<vmem>> -> memref<1x128xi32, #tpu.memory_space<vmem>>
      %dma_wait3A_103 = tpu.memref_squeeze %dma_wait3A_102 : memref<1x128xi32, #tpu.memory_space<vmem>> -> memref<128xi32, #tpu.memory_space<vmem>>
      %dma_wait3A_104 = arith.constant 0 : i32
      %dma_wait3A_105 = arith.constant 0 : i32
      %dma_wait3A_106 = tpu.memref_slice %arg11[%dma_wait3A_104, %dma_wait3A_105] : memref<10240x8xf32, #tpu.memory_space<vmem_shared>> -> memref<10240x8xf32, #tpu.memory_space<vmem_shared>>
      tpu.wait_indirect_dma semaphore(%run_scoped3A_86 : memref<!tpu.dma_semaphore, #tpu.memory_space<semaphore_mem>>) src(%dma_wait3A_100 : memref<128x8xf32, #tpu.memory_space<vmem>>) dst(%dma_wait3A_106 : memref<10240x8xf32, #tpu.memory_space<vmem_shared>>)
      tpu.yield
    }) : () -> ()
    %dma_wait3A_53 = arith.constant 1 : i32
    %dma_wait3A_54 = arith.constant 1 : i32
    %dma_wait3A_55 = arith.constant 0 : i32
    %dma_wait3A_56 = arith.constant 0 : i32
    %dma_wait3A_57 = tpu.memref_slice %arg9[%dma_wait3A_54, %dma_wait3A_55, %dma_wait3A_56] : memref<3x128x8xf32, #tpu.memory_space<vmem>> -> memref<1x128x8xf32, #tpu.memory_space<vmem>>
    %dma_wait3A_58 = tpu.memref_squeeze %dma_wait3A_57 : memref<1x128x8xf32, #tpu.memory_space<vmem>> -> memref<128x8xf32, #tpu.memory_space<vmem>>
    %dma_wait3A_59 = arith.constant 0 : i32
    %dma_wait3A_60 = tpu.memref_slice %arg7[%dma_wait3A_53, %dma_wait3A_59] : memref<81x128xi32, #tpu.memory_space<vmem>> -> memref<1x128xi32, #tpu.memory_space<vmem>>
    %dma_wait3A_61 = tpu.memref_squeeze %dma_wait3A_60 : memref<1x128xi32, #tpu.memory_space<vmem>> -> memref<128xi32, #tpu.memory_space<vmem>>
    %dma_wait3A_62 = arith.constant 0 : i32
    %dma_wait3A_63 = arith.constant 0 : i32
    %dma_wait3A_64 = tpu.memref_slice %arg4[%dma_wait3A_62, %dma_wait3A_63] : memref<10240x8xf32, #tpu.memory_space<hbm>> -> memref<10240x8xf32, #tpu.memory_space<hbm>>
    tpu.wait_indirect_dma semaphore(%arg13 : memref<!tpu.dma_semaphore, #tpu.memory_space<semaphore_mem>>) src(%dma_wait3A_64 : memref<10240x8xf32, #tpu.memory_space<hbm>>) dst(%dma_wait3A_58 : memref<128x8xf32, #tpu.memory_space<vmem>>)
    %run_scoped3A_65 = arith.constant 1 : i32
    %run_scoped3A_66 = arith.constant 79 : i32
    "tpu.region"() ({
      %run_scoped3A_86 = tpu.sem_alloc : memref<!tpu.dma_semaphore, #tpu.memory_space<semaphore_mem>>
      %dma_start3A_87 = arith.constant 0 : i32
      %dma_start3A_88 = arith.constant 0 : i32
      %dma_start3A_89 = tpu.memref_slice %arg9[%run_scoped3A_65, %dma_start3A_87, %dma_start3A_88] : memref<3x128x8xf32, #tpu.memory_space<vmem>> -> memref<1x128x8xf32, #tpu.memory_space<vmem>>
      %dma_start3A_90 = tpu.memref_squeeze %dma_start3A_89 : memref<1x128x8xf32, #tpu.memory_space<vmem>> -> memref<128x8xf32, #tpu.memory_space<vmem>>
      %dma_start3A_91 = arith.constant 0 : i32
      %dma_start3A_92 = tpu.memref_slice %arg8[%run_scoped3A_66, %dma_start3A_91] : memref<81x128xi32, #tpu.memory_space<vmem>> -> memref<1x128xi32, #tpu.memory_space<vmem>>
      %dma_start3A_93 = tpu.memref_squeeze %dma_start3A_92 : memref<1x128xi32, #tpu.memory_space<vmem>> -> memref<128xi32, #tpu.memory_space<vmem>>
      %dma_start3A_94 = arith.constant 0 : i32
      %dma_start3A_95 = arith.constant 0 : i32
      %dma_start3A_96 = tpu.memref_slice %arg11[%dma_start3A_94, %dma_start3A_95] : memref<10240x8xf32, #tpu.memory_space<vmem_shared>> -> memref<10240x8xf32, #tpu.memory_space<vmem_shared>>
      tpu.enqueue_indirect_dma source(%dma_start3A_90 : memref<128x8xf32, #tpu.memory_space<vmem>>) target(%dma_start3A_96 : memref<10240x8xf32, #tpu.memory_space<vmem_shared>>) offsets(%dma_start3A_93 : memref<128xi32, #tpu.memory_space<vmem>>) semaphore(%run_scoped3A_86 : memref<!tpu.dma_semaphore, #tpu.memory_space<semaphore_mem>>) {add = true}
      %dma_wait3A_97 = arith.constant 0 : i32
      %dma_wait3A_98 = arith.constant 0 : i32
      %dma_wait3A_99 = tpu.memref_slice %arg9[%run_scoped3A_65, %dma_wait3A_97, %dma_wait3A_98] : memref<3x128x8xf32, #tpu.memory_space<vmem>> -> memref<1x128x8xf32, #tpu.memory_space<vmem>>
      %dma_wait3A_100 = tpu.memref_squeeze %dma_wait3A_99 : memref<1x128x8xf32, #tpu.memory_space<vmem>> -> memref<128x8xf32, #tpu.memory_space<vmem>>
      %dma_wait3A_101 = arith.constant 0 : i32
      %dma_wait3A_102 = tpu.memref_slice %arg8[%run_scoped3A_66, %dma_wait3A_101] : memref<81x128xi32, #tpu.memory_space<vmem>> -> memref<1x128xi32, #tpu.memory_space<vmem>>
      %dma_wait3A_103 = tpu.memref_squeeze %dma_wait3A_102 : memref<1x128xi32, #tpu.memory_space<vmem>> -> memref<128xi32, #tpu.memory_space<vmem>>
      %dma_wait3A_104 = arith.constant 0 : i32
      %dma_wait3A_105 = arith.constant 0 : i32
      %dma_wait3A_106 = tpu.memref_slice %arg11[%dma_wait3A_104, %dma_wait3A_105] : memref<10240x8xf32, #tpu.memory_space<vmem_shared>> -> memref<10240x8xf32, #tpu.memory_space<vmem_shared>>
      tpu.wait_indirect_dma semaphore(%run_scoped3A_86 : memref<!tpu.dma_semaphore, #tpu.memory_space<semaphore_mem>>) src(%dma_wait3A_100 : memref<128x8xf32, #tpu.memory_space<vmem>>) dst(%dma_wait3A_106 : memref<10240x8xf32, #tpu.memory_space<vmem_shared>>)
      tpu.yield
    }) : () -> ()
    %dma_wait3A_67 = arith.constant 2 : i32
    %dma_wait3A_68 = arith.constant 2 : i32
    %dma_wait3A_69 = arith.constant 0 : i32
    %dma_wait3A_70 = arith.constant 0 : i32
    %dma_wait3A_71 = tpu.memref_slice %arg9[%dma_wait3A_68, %dma_wait3A_69, %dma_wait3A_70] : memref<3x128x8xf32, #tpu.memory_space<vmem>> -> memref<1x128x8xf32, #tpu.memory_space<vmem>>
    %dma_wait3A_72 = tpu.memref_squeeze %dma_wait3A_71 : memref<1x128x8xf32, #tpu.memory_space<vmem>> -> memref<128x8xf32, #tpu.memory_space<vmem>>
    %dma_wait3A_73 = arith.constant 0 : i32
    %dma_wait3A_74 = tpu.memref_slice %arg7[%dma_wait3A_67, %dma_wait3A_73] : memref<81x128xi32, #tpu.memory_space<vmem>> -> memref<1x128xi32, #tpu.memory_space<vmem>>
    %dma_wait3A_75 = tpu.memref_squeeze %dma_wait3A_74 : memref<1x128xi32, #tpu.memory_space<vmem>> -> memref<128xi32, #tpu.memory_space<vmem>>
    %dma_wait3A_76 = arith.constant 0 : i32
    %dma_wait3A_77 = arith.constant 0 : i32
    %dma_wait3A_78 = tpu.memref_slice %arg4[%dma_wait3A_76, %dma_wait3A_77] : memref<10240x8xf32, #tpu.memory_space<hbm>> -> memref<10240x8xf32, #tpu.memory_space<hbm>>
    tpu.wait_indirect_dma semaphore(%arg14 : memref<!tpu.dma_semaphore, #tpu.memory_space<semaphore_mem>>) src(%dma_wait3A_78 : memref<10240x8xf32, #tpu.memory_space<hbm>>) dst(%dma_wait3A_72 : memref<128x8xf32, #tpu.memory_space<vmem>>)
    %run_scoped3A_79 = arith.constant 2 : i32
    %run_scoped3A_80 = arith.constant 80 : i32
    "tpu.region"() ({
      %run_scoped3A_86 = tpu.sem_alloc : memref<!tpu.dma_semaphore, #tpu.memory_space<semaphore_mem>>
      %dma_start3A_87 = arith.constant 0 : i32
      %dma_start3A_88 = arith.constant 0 : i32
      %dma_start3A_89 = tpu.memref_slice %arg9[%run_scoped3A_79, %dma_start3A_87, %dma_start3A_88] : memref<3x128x8xf32, #tpu.memory_space<vmem>> -> memref<1x128x8xf32, #tpu.memory_space<vmem>>
      %dma_start3A_90 = tpu.memref_squeeze %dma_start3A_89 : memref<1x128x8xf32, #tpu.memory_space<vmem>> -> memref<128x8xf32, #tpu.memory_space<vmem>>
      %dma_start3A_91 = arith.constant 0 : i32
      %dma_start3A_92 = tpu.memref_slice %arg8[%run_scoped3A_80, %dma_start3A_91] : memref<81x128xi32, #tpu.memory_space<vmem>> -> memref<1x128xi32, #tpu.memory_space<vmem>>
      %dma_start3A_93 = tpu.memref_squeeze %dma_start3A_92 : memref<1x128xi32, #tpu.memory_space<vmem>> -> memref<128xi32, #tpu.memory_space<vmem>>
      %dma_start3A_94 = arith.constant 0 : i32
      %dma_start3A_95 = arith.constant 0 : i32
      %dma_start3A_96 = tpu.memref_slice %arg11[%dma_start3A_94, %dma_start3A_95] : memref<10240x8xf32, #tpu.memory_space<vmem_shared>> -> memref<10240x8xf32, #tpu.memory_space<vmem_shared>>
      tpu.enqueue_indirect_dma source(%dma_start3A_90 : memref<128x8xf32, #tpu.memory_space<vmem>>) target(%dma_start3A_96 : memref<10240x8xf32, #tpu.memory_space<vmem_shared>>) offsets(%dma_start3A_93 : memref<128xi32, #tpu.memory_space<vmem>>) semaphore(%run_scoped3A_86 : memref<!tpu.dma_semaphore, #tpu.memory_space<semaphore_mem>>) {add = true}
      %dma_wait3A_97 = arith.constant 0 : i32
      %dma_wait3A_98 = arith.constant 0 : i32
      %dma_wait3A_99 = tpu.memref_slice %arg9[%run_scoped3A_79, %dma_wait3A_97, %dma_wait3A_98] : memref<3x128x8xf32, #tpu.memory_space<vmem>> -> memref<1x128x8xf32, #tpu.memory_space<vmem>>
      %dma_wait3A_100 = tpu.memref_squeeze %dma_wait3A_99 : memref<1x128x8xf32, #tpu.memory_space<vmem>> -> memref<128x8xf32, #tpu.memory_space<vmem>>
      %dma_wait3A_101 = arith.constant 0 : i32
      %dma_wait3A_102 = tpu.memref_slice %arg8[%run_scoped3A_80, %dma_wait3A_101] : memref<81x128xi32, #tpu.memory_space<vmem>> -> memref<1x128xi32, #tpu.memory_space<vmem>>
      %dma_wait3A_103 = tpu.memref_squeeze %dma_wait3A_102 : memref<1x128xi32, #tpu.memory_space<vmem>> -> memref<128xi32, #tpu.memory_space<vmem>>
      %dma_wait3A_104 = arith.constant 0 : i32
      %dma_wait3A_105 = arith.constant 0 : i32
      %dma_wait3A_106 = tpu.memref_slice %arg11[%dma_wait3A_104, %dma_wait3A_105] : memref<10240x8xf32, #tpu.memory_space<vmem_shared>> -> memref<10240x8xf32, #tpu.memory_space<vmem_shared>>
      tpu.wait_indirect_dma semaphore(%run_scoped3A_86 : memref<!tpu.dma_semaphore, #tpu.memory_space<semaphore_mem>>) src(%dma_wait3A_100 : memref<128x8xf32, #tpu.memory_space<vmem>>) dst(%dma_wait3A_106 : memref<10240x8xf32, #tpu.memory_space<vmem_shared>>)
      tpu.yield
    }) : () -> ()
    %barrier3A_81 = arith.constant 0 : index
    tpu.barrier barrier_id(%barrier3A_81)
    %mul3A_82 = arith.constant 640 : i32
    %mul3A_83 = arith.muli %arg1, %mul3A_82 : i32
    "tpu.region"() ({
      %run_scoped3A_86 = tpu.sem_alloc : memref<!tpu.dma_semaphore, #tpu.memory_space<semaphore_mem>>
      %dma_start3A_87 = arith.constant 0 : i32
      %dma_start3A_88 = tpu.memref_slice %arg11[%mul3A_83, %dma_start3A_87] : memref<10240x8xf32, #tpu.memory_space<vmem_shared>> -> memref<640x8xf32, #tpu.memory_space<vmem_shared>>
      %dma_start3A_89 = arith.constant 0 : i32
      %dma_start3A_90 = tpu.memref_slice %arg11[%mul3A_83, %dma_start3A_89] : memref<10240x8xf32, #tpu.memory_space<vmem_shared>> -> memref<640x8xf32, #tpu.memory_space<vmem_shared>>
      tpu.enqueue_dma source(%dma_start3A_90 : memref<640x8xf32, #tpu.memory_space<vmem_shared>>) target(%arg10 : memref<640x8xf32, #tpu.memory_space<vmem>>) target_semaphore(%run_scoped3A_86 : memref<!tpu.dma_semaphore, #tpu.memory_space<semaphore_mem>>)
      %dma_wait3A_91 = arith.constant 0 : i32
      %dma_wait3A_92 = tpu.memref_slice %arg11[%mul3A_83, %dma_wait3A_91] : memref<10240x8xf32, #tpu.memory_space<vmem_shared>> -> memref<640x8xf32, #tpu.memory_space<vmem_shared>>
      %dma_wait3A_93 = arith.constant 0 : i32
      %dma_wait3A_94 = tpu.memref_slice %arg11[%mul3A_83, %dma_wait3A_93] : memref<10240x8xf32, #tpu.memory_space<vmem_shared>> -> memref<640x8xf32, #tpu.memory_space<vmem_shared>>
      tpu.wait_dma2 semaphore(%run_scoped3A_86 : memref<!tpu.dma_semaphore, #tpu.memory_space<semaphore_mem>>) src(%dma_wait3A_94 : memref<640x8xf32, #tpu.memory_space<vmem_shared>>) dst(%arg10 : memref<640x8xf32, #tpu.memory_space<vmem>>)
      tpu.yield
    }) : () -> ()
    %mul3A_84 = arith.constant 640 : i32
    %mul3A_85 = arith.muli %arg1, %mul3A_84 : i32
    "tpu.region"() ({
      %run_scoped3A_86 = tpu.sem_alloc : memref<!tpu.dma_semaphore, #tpu.memory_space<semaphore_mem>>
      %dma_start3A_87 = arith.constant 0 : i32
      %dma_start3A_88 = tpu.memref_slice %arg6[%arg0, %mul3A_85, %dma_start3A_87] : memref<2x10240x8xf32, #tpu.memory_space<hbm>> -> memref<1x640x8xf32, #tpu.memory_space<hbm>>
      %dma_start3A_89 = tpu.memref_squeeze %dma_start3A_88 : memref<1x640x8xf32, #tpu.memory_space<hbm>> -> memref<640x8xf32, #tpu.memory_space<hbm>>
      %dma_start3A_90 = arith.constant 0 : i32
      %dma_start3A_91 = tpu.memref_slice %arg6[%arg0, %mul3A_85, %dma_start3A_90] : memref<2x10240x8xf32, #tpu.memory_space<hbm>> -> memref<1x640x8xf32, #tpu.memory_space<hbm>>
      %dma_start3A_92 = tpu.memref_squeeze %dma_start3A_91 : memref<1x640x8xf32, #tpu.memory_space<hbm>> -> memref<640x8xf32, #tpu.memory_space<hbm>>
      tpu.enqueue_dma source(%arg10 : memref<640x8xf32, #tpu.memory_space<vmem>>) target(%dma_start3A_92 : memref<640x8xf32, #tpu.memory_space<hbm>>) target_semaphore(%run_scoped3A_86 : memref<!tpu.dma_semaphore, #tpu.memory_space<semaphore_mem>>)
      %dma_wait3A_93 = arith.constant 0 : i32
      %dma_wait3A_94 = tpu.memref_slice %arg6[%arg0, %mul3A_85, %dma_wait3A_93] : memref<2x10240x8xf32, #tpu.memory_space<hbm>> -> memref<1x640x8xf32, #tpu.memory_space<hbm>>
      %dma_wait3A_95 = tpu.memref_squeeze %dma_wait3A_94 : memref<1x640x8xf32, #tpu.memory_space<hbm>> -> memref<640x8xf32, #tpu.memory_space<hbm>>
      %dma_wait3A_96 = arith.constant 0 : i32
      %dma_wait3A_97 = tpu.memref_slice %arg6[%arg0, %mul3A_85, %dma_wait3A_96] : memref<2x10240x8xf32, #tpu.memory_space<hbm>> -> memref<1x640x8xf32, #tpu.memory_space<hbm>>
      %dma_wait3A_98 = tpu.memref_squeeze %dma_wait3A_97 : memref<1x640x8xf32, #tpu.memory_space<hbm>> -> memref<640x8xf32, #tpu.memory_space<hbm>>
      tpu.wait_dma2 semaphore(%run_scoped3A_86 : memref<!tpu.dma_semaphore, #tpu.memory_space<semaphore_mem>>) src(%arg10 : memref<640x8xf32, #tpu.memory_space<vmem>>) dst(%dma_wait3A_98 : memref<640x8xf32, #tpu.memory_space<hbm>>)
      tpu.yield
    }) : () -> ()
    return
  }
}

#map = affine_map<(d0, d1) -> (0, 0, 0, 0)>
#map1 = affine_map<(d0, d1) -> (0)>
#map2 = affine_map<(d0, d1) -> (0, 0)>
module attributes {stable_mosaic.version = 14 : i64} {
  func.func @_sc_degree(%arg0: i32, %arg1: i32, %arg2: memref<2x16x50x200xi32, #tpu.memory_space<hbm>>, %arg3: memref<200xf32, #tpu.memory_space<hbm>>, %arg4: memref<640xf32, #tpu.memory_space<hbm>>, %arg5: memref<2x10240xf32, #tpu.memory_space<hbm>>, %arg6: memref<50x200xi32, #tpu.memory_space<vmem>>, %arg7: memref<200xf32, #tpu.memory_space<vmem>>, %arg8: memref<640xf32, #tpu.memory_space<vmem>>, %arg9: memref<10240xf32, #tpu.memory_space<vmem_shared>>) attributes {dimension_semantics = [#tpu.dimension_semantics<core_parallel>, #tpu.dimension_semantics<subcore_parallel>], iteration_bounds = array<i64: 2, 16>, scalar_prefetch = 0 : i64, scratch_operands = 4 : i64, tpu.core_type = #tpu.core_type<sc_vector_subcore>, window_params = [{transform_indices = #map}, {transform_indices = #map1}, {transform_indices = #map1}, {transform_indices = #map2}]} {
    "tpu.region"() ({
      %run_scoped3A = tpu.sem_alloc : memref<!tpu.dma_semaphore, #tpu.memory_space<semaphore_mem>>
      %dma_start3A = arith.constant 0 : i32
      %dma_start3A_11 = arith.constant 0 : i32
      %dma_start3A_12 = tpu.memref_slice %arg2[%arg0, %arg1, %dma_start3A, %dma_start3A_11] : memref<2x16x50x200xi32, #tpu.memory_space<hbm>> -> memref<1x1x50x200xi32, #tpu.memory_space<hbm>>
      %dma_start3A_13 = tpu.memref_squeeze %dma_start3A_12 : memref<1x1x50x200xi32, #tpu.memory_space<hbm>> -> memref<50x200xi32, #tpu.memory_space<hbm>>
      %dma_start3A_14 = arith.constant 0 : i32
      %dma_start3A_15 = arith.constant 0 : i32
      %dma_start3A_16 = tpu.memref_slice %arg2[%arg0, %arg1, %dma_start3A_14, %dma_start3A_15] : memref<2x16x50x200xi32, #tpu.memory_space<hbm>> -> memref<1x1x50x200xi32, #tpu.memory_space<hbm>>
      %dma_start3A_17 = tpu.memref_squeeze %dma_start3A_16 : memref<1x1x50x200xi32, #tpu.memory_space<hbm>> -> memref<50x200xi32, #tpu.memory_space<hbm>>
      tpu.enqueue_dma source(%dma_start3A_17 : memref<50x200xi32, #tpu.memory_space<hbm>>) target(%arg6 : memref<50x200xi32, #tpu.memory_space<vmem>>) target_semaphore(%run_scoped3A : memref<!tpu.dma_semaphore, #tpu.memory_space<semaphore_mem>>)
      %dma_wait3A = arith.constant 0 : i32
      %dma_wait3A_18 = arith.constant 0 : i32
      %dma_wait3A_19 = tpu.memref_slice %arg2[%arg0, %arg1, %dma_wait3A, %dma_wait3A_18] : memref<2x16x50x200xi32, #tpu.memory_space<hbm>> -> memref<1x1x50x200xi32, #tpu.memory_space<hbm>>
      %dma_wait3A_20 = tpu.memref_squeeze %dma_wait3A_19 : memref<1x1x50x200xi32, #tpu.memory_space<hbm>> -> memref<50x200xi32, #tpu.memory_space<hbm>>
      %dma_wait3A_21 = arith.constant 0 : i32
      %dma_wait3A_22 = arith.constant 0 : i32
      %dma_wait3A_23 = tpu.memref_slice %arg2[%arg0, %arg1, %dma_wait3A_21, %dma_wait3A_22] : memref<2x16x50x200xi32, #tpu.memory_space<hbm>> -> memref<1x1x50x200xi32, #tpu.memory_space<hbm>>
      %dma_wait3A_24 = tpu.memref_squeeze %dma_wait3A_23 : memref<1x1x50x200xi32, #tpu.memory_space<hbm>> -> memref<50x200xi32, #tpu.memory_space<hbm>>
      tpu.wait_dma2 semaphore(%run_scoped3A : memref<!tpu.dma_semaphore, #tpu.memory_space<semaphore_mem>>) src(%dma_wait3A_24 : memref<50x200xi32, #tpu.memory_space<hbm>>) dst(%arg6 : memref<50x200xi32, #tpu.memory_space<vmem>>)
      tpu.yield
    }) : () -> ()
    "tpu.region"() ({
      %run_scoped3A = tpu.sem_alloc : memref<!tpu.dma_semaphore, #tpu.memory_space<semaphore_mem>>
      tpu.enqueue_dma source(%arg3 : memref<200xf32, #tpu.memory_space<hbm>>) target(%arg7 : memref<200xf32, #tpu.memory_space<vmem>>) target_semaphore(%run_scoped3A : memref<!tpu.dma_semaphore, #tpu.memory_space<semaphore_mem>>)
      tpu.wait_dma2 semaphore(%run_scoped3A : memref<!tpu.dma_semaphore, #tpu.memory_space<semaphore_mem>>) src(%arg3 : memref<200xf32, #tpu.memory_space<hbm>>) dst(%arg7 : memref<200xf32, #tpu.memory_space<vmem>>)
      tpu.yield
    }) : () -> ()
    "tpu.region"() ({
      %run_scoped3A = tpu.sem_alloc : memref<!tpu.dma_semaphore, #tpu.memory_space<semaphore_mem>>
      tpu.enqueue_dma source(%arg4 : memref<640xf32, #tpu.memory_space<hbm>>) target(%arg8 : memref<640xf32, #tpu.memory_space<vmem>>) target_semaphore(%run_scoped3A : memref<!tpu.dma_semaphore, #tpu.memory_space<semaphore_mem>>)
      tpu.wait_dma2 semaphore(%run_scoped3A : memref<!tpu.dma_semaphore, #tpu.memory_space<semaphore_mem>>) src(%arg4 : memref<640xf32, #tpu.memory_space<hbm>>) dst(%arg8 : memref<640xf32, #tpu.memory_space<vmem>>)
      tpu.yield
    }) : () -> ()
    %mul3A = arith.constant 640 : i32
    %mul3A_0 = arith.muli %arg1, %mul3A : i32
    "tpu.region"() ({
      %run_scoped3A = tpu.sem_alloc : memref<!tpu.dma_semaphore, #tpu.memory_space<semaphore_mem>>
      %dma_start3A = tpu.memref_slice %arg9[%mul3A_0] : memref<10240xf32, #tpu.memory_space<vmem_shared>> -> memref<640xf32, #tpu.memory_space<vmem_shared>>
      %dma_start3A_11 = tpu.memref_slice %arg9[%mul3A_0] : memref<10240xf32, #tpu.memory_space<vmem_shared>> -> memref<640xf32, #tpu.memory_space<vmem_shared>>
      tpu.enqueue_dma source(%arg8 : memref<640xf32, #tpu.memory_space<vmem>>) target(%dma_start3A_11 : memref<640xf32, #tpu.memory_space<vmem_shared>>) target_semaphore(%run_scoped3A : memref<!tpu.dma_semaphore, #tpu.memory_space<semaphore_mem>>)
      %dma_wait3A = tpu.memref_slice %arg9[%mul3A_0] : memref<10240xf32, #tpu.memory_space<vmem_shared>> -> memref<640xf32, #tpu.memory_space<vmem_shared>>
      %dma_wait3A_12 = tpu.memref_slice %arg9[%mul3A_0] : memref<10240xf32, #tpu.memory_space<vmem_shared>> -> memref<640xf32, #tpu.memory_space<vmem_shared>>
      tpu.wait_dma2 semaphore(%run_scoped3A : memref<!tpu.dma_semaphore, #tpu.memory_space<semaphore_mem>>) src(%arg8 : memref<640xf32, #tpu.memory_space<vmem>>) dst(%dma_wait3A_12 : memref<640xf32, #tpu.memory_space<vmem_shared>>)
      tpu.yield
    }) : () -> ()
    %barrier3A = arith.constant 0 : index
    tpu.barrier barrier_id(%barrier3A)
    %scan3A = arith.constant 0 : i32
    %scan3A_1 = arith.constant 0 : i32
    %scan3A_2 = arith.constant 50 : i32
    %scan3A_3 = arith.addi %scan3A_1, %scan3A_2 : i32
    %scan3A_4 = arith.constant 1 : i32
    scf.for %scan3A_11 = %scan3A_1 to %scan3A_3 step %scan3A_4  : i32 {
      "tpu.region"() ({
        %run_scoped3A = tpu.sem_alloc : memref<!tpu.dma_semaphore, #tpu.memory_space<semaphore_mem>>
        %dma_start3A = arith.constant 0 : i32
        %dma_start3A_12 = tpu.memref_slice %arg6[%scan3A_11, %dma_start3A] : memref<50x200xi32, #tpu.memory_space<vmem>> -> memref<1x200xi32, #tpu.memory_space<vmem>>
        %dma_start3A_13 = tpu.memref_squeeze %dma_start3A_12 : memref<1x200xi32, #tpu.memory_space<vmem>> -> memref<200xi32, #tpu.memory_space<vmem>>
        %dma_start3A_14 = arith.constant 0 : i32
        %dma_start3A_15 = tpu.memref_slice %arg9[%dma_start3A_14] : memref<10240xf32, #tpu.memory_space<vmem_shared>> -> memref<10240xf32, #tpu.memory_space<vmem_shared>>
        tpu.enqueue_indirect_dma source(%arg7 : memref<200xf32, #tpu.memory_space<vmem>>) target(%dma_start3A_15 : memref<10240xf32, #tpu.memory_space<vmem_shared>>) offsets(%dma_start3A_13 : memref<200xi32, #tpu.memory_space<vmem>>) semaphore(%run_scoped3A : memref<!tpu.dma_semaphore, #tpu.memory_space<semaphore_mem>>) {add = true}
        %dma_wait3A = arith.constant 0 : i32
        %dma_wait3A_16 = tpu.memref_slice %arg6[%scan3A_11, %dma_wait3A] : memref<50x200xi32, #tpu.memory_space<vmem>> -> memref<1x200xi32, #tpu.memory_space<vmem>>
        %dma_wait3A_17 = tpu.memref_squeeze %dma_wait3A_16 : memref<1x200xi32, #tpu.memory_space<vmem>> -> memref<200xi32, #tpu.memory_space<vmem>>
        %dma_wait3A_18 = arith.constant 0 : i32
        %dma_wait3A_19 = tpu.memref_slice %arg9[%dma_wait3A_18] : memref<10240xf32, #tpu.memory_space<vmem_shared>> -> memref<10240xf32, #tpu.memory_space<vmem_shared>>
        tpu.wait_indirect_dma semaphore(%run_scoped3A : memref<!tpu.dma_semaphore, #tpu.memory_space<semaphore_mem>>) src(%arg7 : memref<200xf32, #tpu.memory_space<vmem>>) dst(%dma_wait3A_19 : memref<10240xf32, #tpu.memory_space<vmem_shared>>)
        tpu.yield
      }) : () -> ()
    }
    %scan3A_5 = arith.constant 50 : i32
    %barrier3A_6 = arith.constant 0 : index
    tpu.barrier barrier_id(%barrier3A_6)
    %mul3A_7 = arith.constant 640 : i32
    %mul3A_8 = arith.muli %arg1, %mul3A_7 : i32
    "tpu.region"() ({
      %run_scoped3A = tpu.sem_alloc : memref<!tpu.dma_semaphore, #tpu.memory_space<semaphore_mem>>
      %dma_start3A = tpu.memref_slice %arg9[%mul3A_8] : memref<10240xf32, #tpu.memory_space<vmem_shared>> -> memref<640xf32, #tpu.memory_space<vmem_shared>>
      %dma_start3A_11 = tpu.memref_slice %arg9[%mul3A_8] : memref<10240xf32, #tpu.memory_space<vmem_shared>> -> memref<640xf32, #tpu.memory_space<vmem_shared>>
      tpu.enqueue_dma source(%dma_start3A_11 : memref<640xf32, #tpu.memory_space<vmem_shared>>) target(%arg8 : memref<640xf32, #tpu.memory_space<vmem>>) target_semaphore(%run_scoped3A : memref<!tpu.dma_semaphore, #tpu.memory_space<semaphore_mem>>)
      %dma_wait3A = tpu.memref_slice %arg9[%mul3A_8] : memref<10240xf32, #tpu.memory_space<vmem_shared>> -> memref<640xf32, #tpu.memory_space<vmem_shared>>
      %dma_wait3A_12 = tpu.memref_slice %arg9[%mul3A_8] : memref<10240xf32, #tpu.memory_space<vmem_shared>> -> memref<640xf32, #tpu.memory_space<vmem_shared>>
      tpu.wait_dma2 semaphore(%run_scoped3A : memref<!tpu.dma_semaphore, #tpu.memory_space<semaphore_mem>>) src(%dma_wait3A_12 : memref<640xf32, #tpu.memory_space<vmem_shared>>) dst(%arg8 : memref<640xf32, #tpu.memory_space<vmem>>)
      tpu.yield
    }) : () -> ()
    %mul3A_9 = arith.constant 640 : i32
    %mul3A_10 = arith.muli %arg1, %mul3A_9 : i32
    "tpu.region"() ({
      %run_scoped3A = tpu.sem_alloc : memref<!tpu.dma_semaphore, #tpu.memory_space<semaphore_mem>>
      %dma_start3A = tpu.memref_slice %arg5[%arg0, %mul3A_10] : memref<2x10240xf32, #tpu.memory_space<hbm>> -> memref<1x640xf32, #tpu.memory_space<hbm>>
      %dma_start3A_11 = tpu.memref_squeeze %dma_start3A : memref<1x640xf32, #tpu.memory_space<hbm>> -> memref<640xf32, #tpu.memory_space<hbm>>
      %dma_start3A_12 = tpu.memref_slice %arg5[%arg0, %mul3A_10] : memref<2x10240xf32, #tpu.memory_space<hbm>> -> memref<1x640xf32, #tpu.memory_space<hbm>>
      %dma_start3A_13 = tpu.memref_squeeze %dma_start3A_12 : memref<1x640xf32, #tpu.memory_space<hbm>> -> memref<640xf32, #tpu.memory_space<hbm>>
      tpu.enqueue_dma source(%arg8 : memref<640xf32, #tpu.memory_space<vmem>>) target(%dma_start3A_13 : memref<640xf32, #tpu.memory_space<hbm>>) target_semaphore(%run_scoped3A : memref<!tpu.dma_semaphore, #tpu.memory_space<semaphore_mem>>)
      %dma_wait3A = tpu.memref_slice %arg5[%arg0, %mul3A_10] : memref<2x10240xf32, #tpu.memory_space<hbm>> -> memref<1x640xf32, #tpu.memory_space<hbm>>
      %dma_wait3A_14 = tpu.memref_squeeze %dma_wait3A : memref<1x640xf32, #tpu.memory_space<hbm>> -> memref<640xf32, #tpu.memory_space<hbm>>
      %dma_wait3A_15 = tpu.memref_slice %arg5[%arg0, %mul3A_10] : memref<2x10240xf32, #tpu.memory_space<hbm>> -> memref<1x640xf32, #tpu.memory_space<hbm>>
      %dma_wait3A_16 = tpu.memref_squeeze %dma_wait3A_15 : memref<1x640xf32, #tpu.memory_space<hbm>> -> memref<640xf32, #tpu.memory_space<hbm>>
      tpu.wait_dma2 semaphore(%run_scoped3A : memref<!tpu.dma_semaphore, #tpu.memory_space<semaphore_mem>>) src(%arg8 : memref<640xf32, #tpu.memory_space<vmem>>) dst(%dma_wait3A_16 : memref<640xf32, #tpu.memory_space<hbm>>)
      tpu.yield
    }) : () -> ()
    return
  }
}

module attributes {stable_mosaic.version = 14 : i64} {
  func.func @_tc1_body(%arg0: i32, %arg1: memref<1024x128xf32, #tpu.memory_space<vmem>>, %arg2: memref<128x8xf32, #tpu.memory_space<vmem>>, %arg3: memref<2x1024xf32, #tpu.memory_space<vmem>>, %arg4: memref<1024x8xf32, #tpu.memory_space<vmem>>) attributes {dimension_semantics = [#tpu.dimension_semantics<arbitrary>], iteration_bounds = array<i64: 10>, scalar_prefetch = 0 : i64, scratch_operands = 0 : i64, tpu.core_type = #tpu.core_type<tc>, window_params = [{transform_indices = @transform_0, window_bounds = array<i64: 1024, 128>}, {pipeline_mode = #tpu.pipeline_mode<synchronous>, transform_indices = @transform_1, window_bounds = array<i64: 128, 8>}, {transform_indices = @transform_2, window_bounds = array<i64: 2, 1024>}, {transform_indices = @transform_3, window_bounds = array<i64: 1024, 8>}]} {
    %get3A = arith.constant 0 : index
    %get3A_0 = arith.constant 0 : index
    %get3A_1 = vector.load %arg3[%get3A, %get3A_0] : memref<2x1024xf32, #tpu.memory_space<vmem>>, vector<1x1024xf32>
    %get3A_2 = vector.shape_cast %get3A_1 : vector<1x1024xf32> to vector<1024xf32>
    %get3A_3 = arith.constant 1 : index
    %get3A_4 = arith.constant 0 : index
    %get3A_5 = vector.load %arg3[%get3A_3, %get3A_4] : memref<2x1024xf32, #tpu.memory_space<vmem>>, vector<1x1024xf32>
    %get3A_6 = vector.shape_cast %get3A_5 : vector<1x1024xf32> to vector<1024xf32>
    %add3A = arith.addf %get3A_2, %get3A_6 : vector<1024xf32>
    %add3A_7 = arith.constant 1.000000e+00 : f32
    %add3A_8 = vector.broadcast %add3A_7 : f32 to vector<1024xf32>
    %add3A_9 = arith.addf %add3A, %add3A_8 : vector<1024xf32>
    %rsqrt3A = math.rsqrt %add3A_9 : vector<1024xf32>
    %broadcast_in_dim3A = vector.shape_cast %rsqrt3A : vector<1024xf32> to vector<1024x1xf32>
    %get3A_10 = arith.constant 0 : index
    %get3A_11 = arith.constant 0 : index
    %get3A_12 = vector.load %arg1[%get3A_10, %get3A_11] : memref<1024x128xf32, #tpu.memory_space<vmem>>, vector<1024x128xf32>
    %get3A_13 = arith.constant 0 : index
    %get3A_14 = arith.constant 0 : index
    %get3A_15 = vector.load %arg2[%get3A_13, %get3A_14] : memref<128x8xf32, #tpu.memory_space<vmem>>, vector<128x8xf32>
    %dot_general3A = arith.constant dense<0.000000e+00> : vector<1024x8xf32>
    %dot_general3A_16 = tpu.matmul %get3A_12, %get3A_15, %dot_general3A {dimension_numbers = #tpu.dot_dimension_numbers<[1], [0], [0], [1], [0, 0, 1, 1], [], []>, transpose_lhs_hint = false} : vector<1024x128xf32>, vector<128x8xf32>, vector<1024x8xf32> -> vector<1024x8xf32>
    %mul3A = vector.broadcast %broadcast_in_dim3A : vector<1024x1xf32> to vector<1024x8xf32>
    %mul3A_17 = arith.mulf %dot_general3A_16, %mul3A : vector<1024x8xf32>
    %swap3A = arith.constant 0 : index
    %swap3A_18 = arith.constant 0 : index
    %swap3A_19 = vector.load %arg4[%swap3A, %swap3A_18] : memref<1024x8xf32, #tpu.memory_space<vmem>>, vector<1024x8xf32>
    tpu.vector_store %arg4[%swap3A, %swap3A_18], %mul3A_17 {strides = array<i32>} : memref<1024x8xf32, #tpu.memory_space<vmem>>, vector<1024x8xf32>,
    return
  }
  func.func @transform_0(%arg0: i32) -> (i32, i32) {
    %c0_i32 = arith.constant 0 : i32
    %c0_i32_0 = arith.constant 0 : i32
    return %arg0, %c0_i32 : i32, i32
  }
  func.func @transform_1(%arg0: i32) -> (i32, i32) {
    %c0_i32 = arith.constant 0 : i32
    %c0_i32_0 = arith.constant 0 : i32
    %c0_i32_1 = arith.constant 0 : i32
    return %c0_i32, %c0_i32_0 : i32, i32
  }
  func.func @transform_2(%arg0: i32) -> (i32, i32) {
    %c0_i32 = arith.constant 0 : i32
    %c0_i32_0 = arith.constant 0 : i32
    return %c0_i32, %arg0 : i32, i32
  }
  func.func @transform_3(%arg0: i32) -> (i32, i32) {
    %c0_i32 = arith.constant 0 : i32
    %c0_i32_0 = arith.constant 0 : i32
    return %arg0, %c0_i32 : i32, i32
  }
}

module attributes {stable_mosaic.version = 14 : i64} {
  func.func @_tcdw_body(%arg0: memref<2x80x128xf32, #tpu.memory_space<vmem>>, %arg1: memref<8x640x80xf32, #tpu.memory_space<vmem>>, %arg2: memref<8x128x128xf32, #tpu.memory_space<vmem>>, %arg3: memref<640x128xf32, #tpu.memory_space<vmem>>) attributes {dimension_semantics = [], scalar_prefetch = 0 : i64, scratch_operands = 0 : i64, tpu.core_type = #tpu.core_type<tc>} {
    %get3A = arith.constant 0 : index
    %get3A_0 = arith.constant 0 : index
    %get3A_1 = arith.constant 0 : index
    %get3A_2 = vector.load %arg0[%get3A, %get3A_0, %get3A_1] : memref<2x80x128xf32, #tpu.memory_space<vmem>>, vector<1x80x128xf32>
    %get3A_3 = vector.shape_cast %get3A_2 : vector<1x80x128xf32> to vector<80x128xf32>
    %get3A_4 = arith.constant 1 : index
    %get3A_5 = arith.constant 0 : index
    %get3A_6 = arith.constant 0 : index
    %get3A_7 = vector.load %arg0[%get3A_4, %get3A_5, %get3A_6] : memref<2x80x128xf32, #tpu.memory_space<vmem>>, vector<1x80x128xf32>
    %get3A_8 = vector.shape_cast %get3A_7 : vector<1x80x128xf32> to vector<80x128xf32>
    %add3A = arith.addf %get3A_3, %get3A_8 : vector<80x128xf32>
    %add3A_9 = arith.constant 1.000000e+00 : f32
    %add3A_10 = vector.broadcast %add3A_9 : f32 to vector<80x128xf32>
    %add3A_11 = arith.addf %add3A, %add3A_10 : vector<80x128xf32>
    %rsqrt3A = math.rsqrt %add3A_11 : vector<80x128xf32>
    %broadcast_in_dim3A = arith.constant 0.000000e+00 : f32
    %broadcast_in_dim3A_12 = vector.broadcast %broadcast_in_dim3A : f32 to vector<640x128xf32>
    %get3A_13 = arith.constant 0 : index
    %get3A_14 = arith.constant 0 : index
    %get3A_15 = arith.constant 0 : index
    %get3A_16 = vector.load %arg2[%get3A_13, %get3A_14, %get3A_15] : memref<8x128x128xf32, #tpu.memory_space<vmem>>, vector<1x128x128xf32>
    %get3A_17 = vector.shape_cast %get3A_16 : vector<1x128x128xf32> to vector<128x128xf32>
    %dot_general3A = arith.constant dense<0.000000e+00> : vector<80x128xf32>
    %dot_general3A_18 = tpu.matmul %rsqrt3A, %get3A_17, %dot_general3A {dimension_numbers = #tpu.dot_dimension_numbers<[1], [0], [0], [1], [0, 0, 1, 1], [], []>, transpose_lhs_hint = false} : vector<80x128xf32>, vector<128x128xf32>, vector<80x128xf32> -> vector<80x128xf32>
    %get3A_19 = arith.constant 0 : index
    %get3A_20 = arith.constant 0 : index
    %get3A_21 = arith.constant 0 : index
    %get3A_22 = vector.load %arg1[%get3A_19, %get3A_20, %get3A_21] : memref<8x640x80xf32, #tpu.memory_space<vmem>>, vector<1x640x80xf32>
    %get3A_23 = vector.shape_cast %get3A_22 : vector<1x640x80xf32> to vector<640x80xf32>
    %dot_general3A_24 = arith.constant dense<0.000000e+00> : vector<640x128xf32>
    %dot_general3A_25 = tpu.matmul %get3A_23, %dot_general3A_18, %dot_general3A_24 {dimension_numbers = #tpu.dot_dimension_numbers<[1], [0], [0], [1], [0, 0, 1, 1], [], []>, transpose_lhs_hint = false} : vector<640x80xf32>, vector<80x128xf32>, vector<640x128xf32> -> vector<640x128xf32>
    %add3A_26 = arith.addf %broadcast_in_dim3A_12, %dot_general3A_25 : vector<640x128xf32>
    %get3A_27 = arith.constant 1 : index
    %get3A_28 = arith.constant 0 : index
    %get3A_29 = arith.constant 0 : index
    %get3A_30 = vector.load %arg2[%get3A_27, %get3A_28, %get3A_29] : memref<8x128x128xf32, #tpu.memory_space<vmem>>, vector<1x128x128xf32>
    %get3A_31 = vector.shape_cast %get3A_30 : vector<1x128x128xf32> to vector<128x128xf32>
    %dot_general3A_32 = arith.constant dense<0.000000e+00> : vector<80x128xf32>
    %dot_general3A_33 = tpu.matmul %rsqrt3A, %get3A_31, %dot_general3A_32 {dimension_numbers = #tpu.dot_dimension_numbers<[1], [0], [0], [1], [0, 0, 1, 1], [], []>, transpose_lhs_hint = false} : vector<80x128xf32>, vector<128x128xf32>, vector<80x128xf32> -> vector<80x128xf32>
    %get3A_34 = arith.constant 1 : index
    %get3A_35 = arith.constant 0 : index
    %get3A_36 = arith.constant 0 : index
    %get3A_37 = vector.load %arg1[%get3A_34, %get3A_35, %get3A_36] : memref<8x640x80xf32, #tpu.memory_space<vmem>>, vector<1x640x80xf32>
    %get3A_38 = vector.shape_cast %get3A_37 : vector<1x640x80xf32> to vector<640x80xf32>
    %dot_general3A_39 = arith.constant dense<0.000000e+00> : vector<640x128xf32>
    %dot_general3A_40 = tpu.matmul %get3A_38, %dot_general3A_33, %dot_general3A_39 {dimension_numbers = #tpu.dot_dimension_numbers<[1], [0], [0], [1], [0, 0, 1, 1], [], []>, transpose_lhs_hint = false} : vector<640x80xf32>, vector<80x128xf32>, vector<640x128xf32> -> vector<640x128xf32>
    %add3A_41 = arith.addf %add3A_26, %dot_general3A_40 : vector<640x128xf32>
    %get3A_42 = arith.constant 2 : index
    %get3A_43 = arith.constant 0 : index
    %get3A_44 = arith.constant 0 : index
    %get3A_45 = vector.load %arg2[%get3A_42, %get3A_43, %get3A_44] : memref<8x128x128xf32, #tpu.memory_space<vmem>>, vector<1x128x128xf32>
    %get3A_46 = vector.shape_cast %get3A_45 : vector<1x128x128xf32> to vector<128x128xf32>
    %dot_general3A_47 = arith.constant dense<0.000000e+00> : vector<80x128xf32>
    %dot_general3A_48 = tpu.matmul %rsqrt3A, %get3A_46, %dot_general3A_47 {dimension_numbers = #tpu.dot_dimension_numbers<[1], [0], [0], [1], [0, 0, 1, 1], [], []>, transpose_lhs_hint = false} : vector<80x128xf32>, vector<128x128xf32>, vector<80x128xf32> -> vector<80x128xf32>
    %get3A_49 = arith.constant 2 : index
    %get3A_50 = arith.constant 0 : index
    %get3A_51 = arith.constant 0 : index
    %get3A_52 = vector.load %arg1[%get3A_49, %get3A_50, %get3A_51] : memref<8x640x80xf32, #tpu.memory_space<vmem>>, vector<1x640x80xf32>
    %get3A_53 = vector.shape_cast %get3A_52 : vector<1x640x80xf32> to vector<640x80xf32>
    %dot_general3A_54 = arith.constant dense<0.000000e+00> : vector<640x128xf32>
    %dot_general3A_55 = tpu.matmul %get3A_53, %dot_general3A_48, %dot_general3A_54 {dimension_numbers = #tpu.dot_dimension_numbers<[1], [0], [0], [1], [0, 0, 1, 1], [], []>, transpose_lhs_hint = false} : vector<640x80xf32>, vector<80x128xf32>, vector<640x128xf32> -> vector<640x128xf32>
    %add3A_56 = arith.addf %add3A_41, %dot_general3A_55 : vector<640x128xf32>
    %get3A_57 = arith.constant 3 : index
    %get3A_58 = arith.constant 0 : index
    %get3A_59 = arith.constant 0 : index
    %get3A_60 = vector.load %arg2[%get3A_57, %get3A_58, %get3A_59] : memref<8x128x128xf32, #tpu.memory_space<vmem>>, vector<1x128x128xf32>
    %get3A_61 = vector.shape_cast %get3A_60 : vector<1x128x128xf32> to vector<128x128xf32>
    %dot_general3A_62 = arith.constant dense<0.000000e+00> : vector<80x128xf32>
    %dot_general3A_63 = tpu.matmul %rsqrt3A, %get3A_61, %dot_general3A_62 {dimension_numbers = #tpu.dot_dimension_numbers<[1], [0], [0], [1], [0, 0, 1, 1], [], []>, transpose_lhs_hint = false} : vector<80x128xf32>, vector<128x128xf32>, vector<80x128xf32> -> vector<80x128xf32>
    %get3A_64 = arith.constant 3 : index
    %get3A_65 = arith.constant 0 : index
    %get3A_66 = arith.constant 0 : index
    %get3A_67 = vector.load %arg1[%get3A_64, %get3A_65, %get3A_66] : memref<8x640x80xf32, #tpu.memory_space<vmem>>, vector<1x640x80xf32>
    %get3A_68 = vector.shape_cast %get3A_67 : vector<1x640x80xf32> to vector<640x80xf32>
    %dot_general3A_69 = arith.constant dense<0.000000e+00> : vector<640x128xf32>
    %dot_general3A_70 = tpu.matmul %get3A_68, %dot_general3A_63, %dot_general3A_69 {dimension_numbers = #tpu.dot_dimension_numbers<[1], [0], [0], [1], [0, 0, 1, 1], [], []>, transpose_lhs_hint = false} : vector<640x80xf32>, vector<80x128xf32>, vector<640x128xf32> -> vector<640x128xf32>
    %add3A_71 = arith.addf %add3A_56, %dot_general3A_70 : vector<640x128xf32>
    %get3A_72 = arith.constant 4 : index
    %get3A_73 = arith.constant 0 : index
    %get3A_74 = arith.constant 0 : index
    %get3A_75 = vector.load %arg2[%get3A_72, %get3A_73, %get3A_74] : memref<8x128x128xf32, #tpu.memory_space<vmem>>, vector<1x128x128xf32>
    %get3A_76 = vector.shape_cast %get3A_75 : vector<1x128x128xf32> to vector<128x128xf32>
    %dot_general3A_77 = arith.constant dense<0.000000e+00> : vector<80x128xf32>
    %dot_general3A_78 = tpu.matmul %rsqrt3A, %get3A_76, %dot_general3A_77 {dimension_numbers = #tpu.dot_dimension_numbers<[1], [0], [0], [1], [0, 0, 1, 1], [], []>, transpose_lhs_hint = false} : vector<80x128xf32>, vector<128x128xf32>, vector<80x128xf32> -> vector<80x128xf32>
    %get3A_79 = arith.constant 4 : index
    %get3A_80 = arith.constant 0 : index
    %get3A_81 = arith.constant 0 : index
    %get3A_82 = vector.load %arg1[%get3A_79, %get3A_80, %get3A_81] : memref<8x640x80xf32, #tpu.memory_space<vmem>>, vector<1x640x80xf32>
    %get3A_83 = vector.shape_cast %get3A_82 : vector<1x640x80xf32> to vector<640x80xf32>
    %dot_general3A_84 = arith.constant dense<0.000000e+00> : vector<640x128xf32>
    %dot_general3A_85 = tpu.matmul %get3A_83, %dot_general3A_78, %dot_general3A_84 {dimension_numbers = #tpu.dot_dimension_numbers<[1], [0], [0], [1], [0, 0, 1, 1], [], []>, transpose_lhs_hint = false} : vector<640x80xf32>, vector<80x128xf32>, vector<640x128xf32> -> vector<640x128xf32>
    %add3A_86 = arith.addf %add3A_71, %dot_general3A_85 : vector<640x128xf32>
    %get3A_87 = arith.constant 5 : index
    %get3A_88 = arith.constant 0 : index
    %get3A_89 = arith.constant 0 : index
    %get3A_90 = vector.load %arg2[%get3A_87, %get3A_88, %get3A_89] : memref<8x128x128xf32, #tpu.memory_space<vmem>>, vector<1x128x128xf32>
    %get3A_91 = vector.shape_cast %get3A_90 : vector<1x128x128xf32> to vector<128x128xf32>
    %dot_general3A_92 = arith.constant dense<0.000000e+00> : vector<80x128xf32>
    %dot_general3A_93 = tpu.matmul %rsqrt3A, %get3A_91, %dot_general3A_92 {dimension_numbers = #tpu.dot_dimension_numbers<[1], [0], [0], [1], [0, 0, 1, 1], [], []>, transpose_lhs_hint = false} : vector<80x128xf32>, vector<128x128xf32>, vector<80x128xf32> -> vector<80x128xf32>
    %get3A_94 = arith.constant 5 : index
    %get3A_95 = arith.constant 0 : index
    %get3A_96 = arith.constant 0 : index
    %get3A_97 = vector.load %arg1[%get3A_94, %get3A_95, %get3A_96] : memref<8x640x80xf32, #tpu.memory_space<vmem>>, vector<1x640x80xf32>
    %get3A_98 = vector.shape_cast %get3A_97 : vector<1x640x80xf32> to vector<640x80xf32>
    %dot_general3A_99 = arith.constant dense<0.000000e+00> : vector<640x128xf32>
    %dot_general3A_100 = tpu.matmul %get3A_98, %dot_general3A_93, %dot_general3A_99 {dimension_numbers = #tpu.dot_dimension_numbers<[1], [0], [0], [1], [0, 0, 1, 1], [], []>, transpose_lhs_hint = false} : vector<640x80xf32>, vector<80x128xf32>, vector<640x128xf32> -> vector<640x128xf32>
    %add3A_101 = arith.addf %add3A_86, %dot_general3A_100 : vector<640x128xf32>
    %get3A_102 = arith.constant 6 : index
    %get3A_103 = arith.constant 0 : index
    %get3A_104 = arith.constant 0 : index
    %get3A_105 = vector.load %arg2[%get3A_102, %get3A_103, %get3A_104] : memref<8x128x128xf32, #tpu.memory_space<vmem>>, vector<1x128x128xf32>
    %get3A_106 = vector.shape_cast %get3A_105 : vector<1x128x128xf32> to vector<128x128xf32>
    %dot_general3A_107 = arith.constant dense<0.000000e+00> : vector<80x128xf32>
    %dot_general3A_108 = tpu.matmul %rsqrt3A, %get3A_106, %dot_general3A_107 {dimension_numbers = #tpu.dot_dimension_numbers<[1], [0], [0], [1], [0, 0, 1, 1], [], []>, transpose_lhs_hint = false} : vector<80x128xf32>, vector<128x128xf32>, vector<80x128xf32> -> vector<80x128xf32>
    %get3A_109 = arith.constant 6 : index
    %get3A_110 = arith.constant 0 : index
    %get3A_111 = arith.constant 0 : index
    %get3A_112 = vector.load %arg1[%get3A_109, %get3A_110, %get3A_111] : memref<8x640x80xf32, #tpu.memory_space<vmem>>, vector<1x640x80xf32>
    %get3A_113 = vector.shape_cast %get3A_112 : vector<1x640x80xf32> to vector<640x80xf32>
    %dot_general3A_114 = arith.constant dense<0.000000e+00> : vector<640x128xf32>
    %dot_general3A_115 = tpu.matmul %get3A_113, %dot_general3A_108, %dot_general3A_114 {dimension_numbers = #tpu.dot_dimension_numbers<[1], [0], [0], [1], [0, 0, 1, 1], [], []>, transpose_lhs_hint = false} : vector<640x80xf32>, vector<80x128xf32>, vector<640x128xf32> -> vector<640x128xf32>
    %add3A_116 = arith.addf %add3A_101, %dot_general3A_115 : vector<640x128xf32>
    %get3A_117 = arith.constant 7 : index
    %get3A_118 = arith.constant 0 : index
    %get3A_119 = arith.constant 0 : index
    %get3A_120 = vector.load %arg2[%get3A_117, %get3A_118, %get3A_119] : memref<8x128x128xf32, #tpu.memory_space<vmem>>, vector<1x128x128xf32>
    %get3A_121 = vector.shape_cast %get3A_120 : vector<1x128x128xf32> to vector<128x128xf32>
    %dot_general3A_122 = arith.constant dense<0.000000e+00> : vector<80x128xf32>
    %dot_general3A_123 = tpu.matmul %rsqrt3A, %get3A_121, %dot_general3A_122 {dimension_numbers = #tpu.dot_dimension_numbers<[1], [0], [0], [1], [0, 0, 1, 1], [], []>, transpose_lhs_hint = false} : vector<80x128xf32>, vector<128x128xf32>, vector<80x128xf32> -> vector<80x128xf32>
    %get3A_124 = arith.constant 7 : index
    %get3A_125 = arith.constant 0 : index
    %get3A_126 = arith.constant 0 : index
    %get3A_127 = vector.load %arg1[%get3A_124, %get3A_125, %get3A_126] : memref<8x640x80xf32, #tpu.memory_space<vmem>>, vector<1x640x80xf32>
    %get3A_128 = vector.shape_cast %get3A_127 : vector<1x640x80xf32> to vector<640x80xf32>
    %dot_general3A_129 = arith.constant dense<0.000000e+00> : vector<640x128xf32>
    %dot_general3A_130 = tpu.matmul %get3A_128, %dot_general3A_123, %dot_general3A_129 {dimension_numbers = #tpu.dot_dimension_numbers<[1], [0], [0], [1], [0, 0, 1, 1], [], []>, transpose_lhs_hint = false} : vector<640x80xf32>, vector<80x128xf32>, vector<640x128xf32> -> vector<640x128xf32>
    %add3A_131 = arith.addf %add3A_116, %dot_general3A_130 : vector<640x128xf32>
    %swap3A = arith.constant 0 : index
    %swap3A_132 = arith.constant 0 : index
    %swap3A_133 = vector.load %arg3[%swap3A, %swap3A_132] : memref<640x128xf32, #tpu.memory_space<vmem>>, vector<640x128xf32>
    tpu.vector_store %arg3[%swap3A, %swap3A_132], %add3A_131 {strides = array<i32>} : memref<640x128xf32, #tpu.memory_space<vmem>>, vector<640x128xf32>,
    return
  }
}

module attributes {stable_mosaic.version = 14 : i64} {
  func.func @_tc2_body(%arg0: memref<2x640x128xf32, #tpu.memory_space<vmem>>, %arg1: memref<640x128xf32, #tpu.memory_space<vmem>>, %arg2: memref<1x128xf32, #tpu.memory_space<vmem>>, %arg3: memref<128x128xf32, #tpu.memory_space<vmem>>, %arg4: memref<640x128xf32, #tpu.memory_space<vmem>>) attributes {dimension_semantics = [], scalar_prefetch = 0 : i64, scratch_operands = 0 : i64, tpu.core_type = #tpu.core_type<tc>} {
    %get3A = arith.constant 0 : index
    %get3A_0 = arith.constant 0 : index
    %get3A_1 = vector.load %arg1[%get3A, %get3A_0] : memref<640x128xf32, #tpu.memory_space<vmem>>, vector<640x128xf32>
    %get3A_2 = arith.constant 0 : index
    %get3A_3 = arith.constant 0 : index
    %get3A_4 = arith.constant 0 : index
    %get3A_5 = vector.load %arg0[%get3A_2, %get3A_3, %get3A_4] : memref<2x640x128xf32, #tpu.memory_space<vmem>>, vector<1x640x128xf32>
    %get3A_6 = vector.shape_cast %get3A_5 : vector<1x640x128xf32> to vector<640x128xf32>
    %get3A_7 = arith.constant 1 : index
    %get3A_8 = arith.constant 0 : index
    %get3A_9 = arith.constant 0 : index
    %get3A_10 = vector.load %arg0[%get3A_7, %get3A_8, %get3A_9] : memref<2x640x128xf32, #tpu.memory_space<vmem>>, vector<1x640x128xf32>
    %get3A_11 = vector.shape_cast %get3A_10 : vector<1x640x128xf32> to vector<640x128xf32>
    %add3A = arith.addf %get3A_6, %get3A_11 : vector<640x128xf32>
    %mul3A = arith.mulf %add3A, %get3A_1 : vector<640x128xf32>
    %get3A_12 = arith.constant 0 : index
    %get3A_13 = arith.constant 0 : index
    %get3A_14 = vector.load %arg2[%get3A_12, %get3A_13] : memref<1x128xf32, #tpu.memory_space<vmem>>, vector<1x128xf32>
    %add3A_15 = vector.broadcast %get3A_14 : vector<1x128xf32> to vector<640x128xf32>
    %add3A_16 = arith.addf %mul3A, %add3A_15 : vector<640x128xf32>
    %max3A = arith.constant 0.000000e+00 : f32
    %max3A_17 = vector.broadcast %max3A : f32 to vector<640x128xf32>
    %max3A_18 = arith.maximumf %add3A_16, %max3A_17 : vector<640x128xf32>
    %get3A_19 = arith.constant 0 : index
    %get3A_20 = arith.constant 0 : index
    %get3A_21 = vector.load %arg3[%get3A_19, %get3A_20] : memref<128x128xf32, #tpu.memory_space<vmem>>, vector<128x128xf32>
    %dot_general3A = arith.constant dense<0.000000e+00> : vector<640x128xf32>
    %dot_general3A_22 = tpu.matmul %max3A_18, %get3A_21, %dot_general3A {dimension_numbers = #tpu.dot_dimension_numbers<[1], [0], [0], [1], [0, 0, 1, 1], [], []>, transpose_lhs_hint = false} : vector<640x128xf32>, vector<128x128xf32>, vector<640x128xf32> -> vector<640x128xf32>
    %mul3A_23 = arith.mulf %dot_general3A_22, %get3A_1 : vector<640x128xf32>
    %swap3A = arith.constant 0 : index
    %swap3A_24 = arith.constant 0 : index
    %swap3A_25 = vector.load %arg4[%swap3A, %swap3A_24] : memref<640x128xf32, #tpu.memory_space<vmem>>, vector<640x128xf32>
    tpu.vector_store %arg4[%swap3A, %swap3A_24], %mul3A_23 {strides = array<i32>} : memref<640x128xf32, #tpu.memory_space<vmem>>, vector<640x128xf32>,
    return
  }
}

module attributes {stable_mosaic.version = 14 : i64} {
  func.func @_tc3_body(%arg0: memref<2x640x128xf32, #tpu.memory_space<vmem>>, %arg1: memref<640x128xf32, #tpu.memory_space<vmem>>, %arg2: memref<1x128xf32, #tpu.memory_space<vmem>>, %arg3: memref<640x128xf32, #tpu.memory_space<vmem>>) attributes {dimension_semantics = [], scalar_prefetch = 0 : i64, scratch_operands = 0 : i64, tpu.core_type = #tpu.core_type<tc>} {
    %get3A = arith.constant 0 : index
    %get3A_0 = arith.constant 0 : index
    %get3A_1 = arith.constant 0 : index
    %get3A_2 = vector.load %arg0[%get3A, %get3A_0, %get3A_1] : memref<2x640x128xf32, #tpu.memory_space<vmem>>, vector<1x640x128xf32>
    %get3A_3 = vector.shape_cast %get3A_2 : vector<1x640x128xf32> to vector<640x128xf32>
    %get3A_4 = arith.constant 1 : index
    %get3A_5 = arith.constant 0 : index
    %get3A_6 = arith.constant 0 : index
    %get3A_7 = vector.load %arg0[%get3A_4, %get3A_5, %get3A_6] : memref<2x640x128xf32, #tpu.memory_space<vmem>>, vector<1x640x128xf32>
    %get3A_8 = vector.shape_cast %get3A_7 : vector<1x640x128xf32> to vector<640x128xf32>
    %add3A = arith.addf %get3A_3, %get3A_8 : vector<640x128xf32>
    %get3A_9 = arith.constant 0 : index
    %get3A_10 = arith.constant 0 : index
    %get3A_11 = vector.load %arg1[%get3A_9, %get3A_10] : memref<640x128xf32, #tpu.memory_space<vmem>>, vector<640x128xf32>
    %mul3A = arith.mulf %add3A, %get3A_11 : vector<640x128xf32>
    %get3A_12 = arith.constant 0 : index
    %get3A_13 = arith.constant 0 : index
    %get3A_14 = vector.load %arg2[%get3A_12, %get3A_13] : memref<1x128xf32, #tpu.memory_space<vmem>>, vector<1x128xf32>
    %add3A_15 = vector.broadcast %get3A_14 : vector<1x128xf32> to vector<640x128xf32>
    %add3A_16 = arith.addf %mul3A, %add3A_15 : vector<640x128xf32>
    %swap3A = arith.constant 0 : index
    %swap3A_17 = arith.constant 0 : index
    %swap3A_18 = vector.load %arg3[%swap3A, %swap3A_17] : memref<640x128xf32, #tpu.memory_space<vmem>>, vector<640x128xf32>
    tpu.vector_store %arg3[%swap3A, %swap3A_17], %add3A_16 {strides = array<i32>} : memref<640x128xf32, #tpu.memory_space<vmem>>, vector<640x128xf32>,
    return
  }
}

</mosaic_0001>

<sc_bundles>
// kernel: kernel.12.cloned.1.call-start
scs
__scs_entry_jumppad:
0x0: {  	(pc) =	sbr.rel $0x88, $3  }
0x1: {  	(tag) =	ssettag $0x0;
	lr =	simm.s32 $0x1  }
0x2: {  	[smem:$0x3F9B] =	sst lr;
	_ =	strace $0xD0000000  }
0x3: {  	_ = 	snop  }
0x4: {  	_ = 	snop  }
0x5: {  	_ = 	snop  }
0x6: {  	_ = 	snop  }
0x7: {  	_ = 	snop  }
__scs_overlays_trampoline_lowered:
0x8: {  	[smem:$0x3FAA] =	sst s0  }
0x9: {  	[smem:$0x3FAB] =	sst s1  }
0xa: {  	[smem:$0x3FAC] =	sst s2  }
0xb: {  	[smem:$0x3FAD] =	sst s3  }
0xc: {  	[smem:$0x3FAE] =	sst s4  }
0xd: {  	[smem:$0x3FAF] =	sst s5  }
0xe: {  	[smem:$0x3FB0] =	sst s6  }
0xf: {  	[smem:$0x3FB1] =	sst s7  }
0x10: {  	[smem:$0x3FB2] =	sst s8  }
0x11: {  	[smem:$0x3FB3] =	sst s9;
	s0 =	simm.s32 @!p0 $0x0  }
0x12: {  	s1 =	sld [smem:$0x3F99];
	s0 =	simm.s32 @p0 $0x1  }
0x13: {  	[smem:$0x3FB4] =	sst s0;
	s0 =	simm.s32 @!p1 $0x0  }
0x14: {  	s2 =	sld [smem:$0x3F98];
	s0 =	simm.s32 @p1 $0x1  }
0x15: {  	[smem:$0x3FB5] =	sst s0;
	s0 =	simm.s32 @!p2 $0x0  }
0x16: {  	s3 =	sld [smem:$0x3FDB];
	s0 =	simm.s32 @p2 $0x1  }
0x17: {  	s4 =	simm.s32 $0x1BF5;
	[smem:$0x3FB7] =	sst s0  }
0x18: {  	s0 =	sld [smem:$0x3F9A];
	_ =	swait.ge [sflag:s4], $0x0  }
0x19: {  	s7 =	sld [smem:$0x3F9B]  }
0x1a: {  	s8 =	sadd.s32 $0xFFFFE003, lr  }
0x1b: {  	s9 =	sadd.s32 $0xFFFFFEF7, lr;
	s5 =	simm.s32 $0xFFFFFFFF;
	p2 =	slt.u32 s8, $0xFFFFF086  }
0x1c: {  	p1 =	slt.u32 s9, $0xF7A;
	s5 =	simm.s32 @!p2 $0x0  }
0x1d: {  	s5 =	simm.s32 @p1 $0x1;
	p0 =	seq.s32 s7, s2  }
0x1e: {  	s7 =	smul.u32 @!p0 $0xF7A, s2;
	p2 =	seq.s32 @!p0 s5, $0x0  }
0x1f: {  	s9 =	smul.u32 $0xF7A, s1;
	s8 =	simm.s32 @!p0 $0x1BF5;
	p2 =	por !p2, p0  }
0x20: {  	[sflag:s8] =	ssyncset.s32 @!p0 $0xFFFFF086;
	s6 =	sadd.s32 @!p0 s3, s7;
	s7 =	simm.s32 @!p0 $0x108  }
0x21: {  	s3 =	sadd.s32 s3, s9;
	s6 =	sadd.s32 @!p0 $0x88, s6;
	s7 =	simm.s32 @p2 $0x1082  }
0x22: {  	[simem:s7], [sflag:s8] =	dma.local @!p0 [hbm:s6], $0xF7A  }
0x23: {  	s9 =	sor.u32 $0xD0000000, s2;
	s6 =	simm.s32 $0x108;
	_ =	swait.ge @!p0 [sflag:s8], $0x0  }
0x24: {  	s3 =	sadd.s32 $0x88, s3;
	s6 =	simm.s32 @!p1 $0x1082;
	[sflag:s4] =	ssyncset.s32 $0xFFFFF086  }
0x25: {  	[simem:s6], [sflag:s4] =	dma.local [hbm:s3], $0xF7A  }
0x26: {  	[smem:$0x3F9B] =	sst s1;
	(tag) =	ssettag s2;
	_ =	strace s9  }
0x27: {  	s1 =	sld [smem:$0x3FAB]  }
0x28: {  	s2 =	sld [smem:$0x3FAC]  }
0x29: {  	s4 =	sld [smem:$0x3FAE]  }
0x2a: {  	p0 =	seq.s32 s5, $0x0;
	s5 =	sld [smem:$0x3FAF]  }
0x2b: {  	s6 =	sld [smem:$0x3FB0]  }
0x2c: {  	s7 =	sld [smem:$0x3FB1]  }
0x2d: {  	s3 =	simm.s32 $0x108;
	s8 =	sld [smem:$0x3FB2]  }
0x2e: {  	s3 =	simm.s32 @!p0 $0x1082;
	s9 =	sld [smem:$0x3FB3]  }
0x2f: {  	lr =	sadd.s32 s0, s3;
	s0 =	sld [smem:$0x3FAA]  }
0x30: {  	s3 =	sld [smem:$0x3FAD]  }
0x31: {  	[smem:$0x3FB6] =	sst s10  }
0x32: {  	s10 =	sld [smem:$0x3FB4];
	_ =	sdelay $0x3  }
0x33: {  	p0 =	seq.s32 s10, $0x1;
	s10 =	sld [smem:$0x3FB6];
	_ =	sdelay $0x3  }
0x34: {  	[smem:$0x3FB6] =	sst s10  }
0x35: {  	s10 =	sld [smem:$0x3FB5];
	_ =	sdelay $0x3  }
0x36: {  	p1 =	seq.s32 s10, $0x1;
	s10 =	sld [smem:$0x3FB6];
	_ =	sdelay $0x3  }
0x37: {  	[smem:$0x3FB6] =	sst s10  }
0x38: {  	s10 =	sld [smem:$0x3FB7]  }
0x39: {  	_ = 	snop;
	(pc) =	sbr.ind lr, $3  }
0x3a: {  	_ = 	snop  }
0x3b: {  	_ = 	snop  }
0x3c: {  	p2 =	seq.s32 s10, $0x1;
	s10 =	sld [smem:$0x3FB6]  }
0x3d: {  	_ =	shalt  }
0x3e: {  	_ =	shalt  }
0x3f: {  	_ =	shalt  }
0x40: {  	_ =	shalt  }
0x41: {  	_ =	shalt  }
0x42: {  	_ =	shalt  }
0x43: {  	_ =	shalt  }
0x44: {  	_ =	shalt  }
0x45: {  	_ =	shalt  }
0x46: {  	_ =	shalt  }
0x47: {  	_ =	shalt  }
0x48: {  	_ =	shalt  }
0x49: {  	_ =	shalt  }
0x4a: {  	_ =	shalt  }
0x4b: {  	_ =	shalt  }
0x4c: {  	_ =	shalt  }
0x4d: {  	_ =	shalt  }
0x4e: {  	_ =	shalt  }
0x4f: {  	_ =	shalt  }
0x50: {  	_ =	shalt  }
0x51: {  	_ =	shalt  }
0x52: {  	_ =	shalt  }
0x53: {  	_ =	shalt  }
0x54: {  	_ =	shalt  }
0x55: {  	_ =	shalt  }
0x56: {  	_ =	shalt  }
0x57: {  	_ =	shalt  }
0x58: {  	_ =	shalt  }
0x59: {  	_ =	shalt  }
0x5a: {  	_ =	shalt  }
0x5b: {  	_ =	shalt  }
0x5c: {  	_ =	shalt  }
0x5d: {  	_ =	shalt  }
0x5e: {  	_ =	shalt  }
0x5f: {  	_ =	shalt  }
0x60: {  	_ =	shalt  }
0x61: {  	_ =	shalt  }
0x62: {  	_ =	shalt  }
0x63: {  	_ =	shalt  }
0x64: {  	_ =	shalt  }
0x65: {  	_ =	shalt  }
0x66: {  	_ =	shalt  }
0x67: {  	_ =	shalt  }
0x68: {  	_ =	shalt  }
0x69: {  	_ =	shalt  }
0x6a: {  	_ =	shalt  }
0x6b: {  	_ =	shalt  }
0x6c: {  	_ =	shalt  }
0x6d: {  	_ =	shalt  }
0x6e: {  	_ =	shalt  }
0x6f: {  	_ =	shalt  }
0x70: {  	_ =	shalt  }
0x71: {  	_ =	shalt  }
0x72: {  	_ =	shalt  }
0x73: {  	_ =	shalt  }
0x74: {  	_ =	shalt  }
0x75: {  	_ =	shalt  }
0x76: {  	_ =	shalt  }
0x77: {  	_ =	shalt  }
0x78: {  	_ =	shalt  }
0x79: {  	_ =	shalt  }
0x7a: {  	_ =	shalt  }
0x7b: {  	_ =	shalt  }
0x7c: {  	_ =	shalt  }
0x7d: {  	_ =	shalt  }
0x7e: {  	_ =	shalt  }
0x7f: {  	_ =	shalt  }
0x80: {  	_ =	shalt  }
0x81: {  	_ =	shalt  }
0x82: {  	_ =	shalt  }
0x83: {  	_ =	shalt  }
0x84: {  	_ =	shalt  }
0x85: {  	_ =	shalt  }
0x86: {  	_ =	shalt  }
0x87: {  	_ =	shalt  }
.Lfunc_end0:
.L_simem_size_0:
called_computation.1_lowered:
.L_overlay_start_0:
0x88: {  	s2 =	sld [smem:$0x3FD9]  }
0x89: {  	s3 =	sld [smem:$0x3FFE];
	_ =	sdelay $0x1  }
0x8a: {  	s1 =	srdreg.scid  }
0x8b: {  	s0 =	sand.u32 $0x1, s1  }
0x8c: {  	s17 =	sshll.u32 s0, $0xA;
	s2 =	sadd.s32 s3, s2  }
0x8d: {  	s2 =	sadd.s32 s2, s17  }
0x8e: {  	[smem:$0x3FC2] =	sst s2  }
0x8f: {  	_ = 	snop  }
0x90: {  	s2 =	sld [smem:$0x3FD0];
	(tm) =	ssettm $0x1  }
0x91: {  	s18 =	sld [smem:$0x3FFB];
	_ =	sdelay $0x3  }
0x92: {  	_ =	strace s18  }
0x93: {  	s3 =	sld [smem:$0x3FFC];
	_ =	sdelay $0x3  }
0x94: {  	_ =	strace s3  }
0x95: {  	s3 =	sld [smem:$0x3FFD];
	_ =	sdelay $0x3  }
0x96: {  	_ =	strace s3  }
0x97: {  	_ =	strace $0x8FFFFFFF  }
0x98: {  	s19 =	sld [smem:$0x3FDB];
	_ =	sdelay $0x1  }
0x99: {  	s4 =	simm.s32 $_scs_section_size  }
0x9a: {  	s5 =	simm.s32 $_size__tile_overlayer_lowered;
	s6 =	simm.s32 $_tile_overlayer_lowered  }
0x9b: {  	s22 =	simm.s32 $0x1BFF;
	s21 =	sshll.u32 s6, $0x1;
	s3 =	sadd.s32 s4, s19  }
0x9c: {  	s7 =	simm.s32 $0x0;
	s20 =	sshll.u32 s5, $0x1;
	s5 =	sadd.s32 s21, s3  }
0x9d: {  	[timem:s7], [sflag:s22] =	dma.local [hbm:s5], s20  }
0x9e: {  	_ =	swait.ge [sflag:s22], s20  }
0x9f: {  	s4 =	ssub.s32 $0x0, s20;
	[sflag:s22] =	ssyncset.done $0x0  }
0xa0: {  	[sflag:s22] =	ssyncadd.s32 s4;
	_ =	sdelay $0x1  }
0xa1: {  	s23 =	simm.s32 $0x1B8B  }
0xa2: {  	_ =	swait.ge [sflag:s23], $0x1  }
0xa3: {  	[sflag:s23] =	ssyncset.done $0x0  }
0xa4: {  	s25 =	simm.s32 $0x1B8E;
	s24 =	sld [smem:$0x3FFE];
	[sflag:s23] =	ssyncadd.s32 $0xFFFFFFFF  }
0xa5: {  	s26 =	simm.s32 $execute0_lowered;
	[smem:$0x3FD2] =	sst s25  }
0xa6: {  	s5 =	sshll.u32 s26, $0x1;
	_ =	strace $0x80000049;
	[dreg:$0x1] =	wrdreg $0xFFFFFFFF  }
0xa7: {  	s28 =	simm.s32 $_size_execute0_lowered;
	s3 =	sadd.s32 s3, s5;
	[dreg:$0x0] =	wrdreg $0x0  }
0xa8: {  	s5 =	sshll.u32 s28, $0x1;
	[dreg:$0x2] =	wrdreg s3  }
0xa9: {  	[dreg:$0x3] =	wrdreg s5  }
0xaa: {  	[dreg:$0x4] =	wrdreg $0xC0  }
0xab: {  	_ =	task [dreg:s7], $0x5FFFF  }
0xac: {  	[dreg:$0x1] =	wrdreg $0xFFFFFFFF  }
0xad: {  	[dreg:$0x0] =	wrdreg $0x60  }
0xae: {  	[dreg:$0x2] =	wrdreg s24  }
0xaf: {  	[dreg:$0x3] =	wrdreg s2  }
0xb0: {  	[dreg:$0x4] =	wrdreg $0x71000  }
0xb1: {  	[dreg:$0x5] =	wrdreg $0x9  }
0xb2: {  	_ =	task.clear_ibuf [dreg:s7], $0x6FFFF;
	_ =	strace $0x90000049  }
0xb3: {  	s29 =	simm.s32 $0x9;
	_ =	strace $0x8000004B  }
0xb4: {  	_ =	swait.ge [sflag:s29], $0x1  }
0xb5: {  	[sflag:s29] =	ssyncadd.s32 $0xFFFFFFFF  }
0xb6: {  	_ =	strace $0x9000004B  }
0xb7: {  	_ =	sfence  }
0xb8: {  	s30 =	sld [smem:$0x0];
	_ =	sdelay $0x2  }
0xb9: {  	s31 =	sshll.u32 s1, $0xD;
	s1 =	sshrl.u32 s1, $0x2  }
0xba: {  	s3 =	sand.u32 $0x4000, s31;
	s1 =	sadd.s32 s1, s30  }
0xbb: {  	s0 =	sor.u32 s3, s0;
	s1 =	sshll.u32 s1, $0x11  }
0xbc: {  	s0 =	sor.u32 s1, s0  }
0xbd: {  	s0 =	sadd.s32 $0x8F2B, s0  }
0xbe: {  	[sflag:s0] =	ssyncadd.remote.s32 $0x1  }
0xbf: {  	_ =	sfence.sel $0xFFFF  }
0xc0: {  	[dreg:$0x0] =	wrdreg $0xFFFFFFFF;
	(pc) =	sbr.abs _section_cstart, $3  }
0xc1: {  	[dreg:$0x1] =	wrdreg $0xFFFFFFFF  }
0xc2: {  	_ =	task.clear_ibuf [dreg:s7], $0x2FFFF;
	_ =	strace $0x9FFFFFFF  }
0xc3: {  	(tm) =	ssettm $0x7FFFFFFF  }
tec
execute0_lowered:
.L_overlay_start_1:
0x0: {  	(tag) =	ssettag $0x1  }
0x1: {  	s6 =	rddreg [dreg:$0x0]  }
0x2: {  	s2 =	rddreg [dreg:$0x1]  }
0x3: {  	s3 =	rddreg [dreg:$0x2]  }
0x4: {  	s0 =	srdreg.scid;
	s1 =	rddreg [dreg:$0x3]  }
0x5: {  	s4 =	simm.s32 $0x0;
	s12 =	simm.s32 $0x2880;
	s13 =	simm.s32 $0x80  }
0x6: {  	s14 =	simm.s32 $0x5100;
	s15 =	simm.s32 $0x5500;
	s16 =	simm.s32 $0x100  }
0x7: {  	s17 =	simm.s32 $0x5900;
	s18 =	simm.s32 $0x5D00;
	s19 =	simm.s32 $0x1  }
0x8: {  	s20 =	simm.s32 $0x2;
	s21 =	simm.s32 $0x3;
	s5 =	sand.u32 $0x1, s0  }
0x9: {  	s22 =	simm.s32 $0x4F80;
	s0 =	stileid.u32;
	s7 =	smul.u32 $0x28800, s5  }
0xa: {  	s23 =	simm.s32 $0x5000;
	s24 =	simm.s32 $0x5080;
	s8 =	smul.u32 $0x2880, s0  }
0xb: {  	s25 =	simm.s32 $0x0;
	[smem:$0x7FF] =	sst s4;
	s9 =	smul.u32 $0x1400, s0  }
0xc: {  	s10 =	smul.u32 $0x14000, s5;
	_ =	strace $0x8000004A;
	s30 =	ssub.s32 $0x2, s5  }
0xd: {  	s5 =	sadd.s32 $0x1C00, s6;
	s31 =	sshrl.u32 s30, $0x1;
	s7 =	sadd.s32 s8, s7  }
0xe: {  	s29 =	sadd.s32 s9, s10;
	s10 =	ssub.s32 s30, s31;
	s7 =	sshrl.u32 s7, $0x3  }
0xf: {  	s8 =	sshrl.u32 s29, $0x3;
	s10 =	smax.u32 s10, $0x1;
	s7 =	sadd.s32 s7, s6  }
0x10: {  	s11 =	sadd.s32 s8, s6;
	s8 =	sadd.s32 s9, s3;
	s6 =	sadd.s32 $0x16800, s7  }
0x11: {  	s7 =	sadd.s32 $0xC600, s7;
	s9 =	sadd.s32 $0x4400, s11;
	s11 =	simm.s32 $0x4  }
.LBB2_1:
0x12: {  	[tilespmem:s4], [sflag:$0x4] =	stream.linear.gather [hbm4b:s6+s4], $0x2880, $0x38;
	[tilespmem:$0x8500] =	vst v63  }
0x13: {  	_ =	swait.ge [sflag:s11], $0x2880  }
0x14: {  	[sflag:s11] =	ssyncset.done $0x0  }
0x15: {  	[sflag:s11] =	ssyncadd.s32 $0xFFFFD780  }
0x16: {  	[tilespmem:s12], [sflag:$0x4] =	stream.linear.gather [hbm4b:s7+s4], $0x2880, $0x38;
	[tilespmem:$0x8500] =	vst v63  }
0x17: {  	_ =	swait.ge [sflag:s11], $0x2880  }
0x18: {  	[sflag:s11] =	ssyncset.done $0x0  }
0x19: {  	[sflag:s11] =	ssyncadd.s32 $0xFFFFD780  }
0x1a: {  	[tilespmem:s14], [sflag:$0x1] =	stream.indirect.gather [hbm4b:s5+s13], $0x8, s4, s13, $0xb8;
	[tilespmem:$0x8500] =	vst v63  }
0x1b: {  	_ = 	snop  }
0x1c: {  	[tilespmem:s15], [sflag:$0x2] =	stream.indirect.gather [hbm4b:s5+s13], $0x8, s13, s13, $0xb8;
	[tilespmem:$0x8500] =	vst v63  }
0x1d: {  	_ = 	snop  }
0x1e: {  	[tilespmem:s17], [sflag:$0x3] =	stream.indirect.gather [hbm4b:s5+s13], $0x8, s16, s13, $0xb8;
	[tilespmem:$0x8500] =	vst v63  }
0x1f: {  	_ = 	snop  }
0x20: {  	[tilespmem:s18], [sflag:$0x4] =	stream.linear.gather [hbm4b:s2+s4], $0x1400, $0x38;
	[tilespmem:$0x8500] =	vst v63  }
0x21: {  	_ =	swait.ge [sflag:s11], $0x1400  }
0x22: {  	[sflag:s11] =	ssyncset.done $0x0  }
0x23: {  	[sflag:s11] =	ssyncadd.s32 $0xFFFFEC00  }
0x24: {  	[spmem:s8] =	stream.linear.scatter [tilespmem:s18], [sflag:$0x4], $0x1400, $0x38;
	[tilespmem:$0x8500] =	vst v63  }
0x25: {  	_ =	swait.ge [sflag:s11], $0x1400  }
0x26: {  	[sflag:s11] =	ssyncset.done $0x0  }
0x27: {  	[sflag:s11] =	ssyncadd.s32 $0xFFFFEC00  }
0x28: {  	[bflag:$0x0] =	sbarrier.arrive $0xFFFF  }
0x29: {  	_ =	swait.ge [sflag:s19], $0x400  }
0x2a: {  	[sflag:s19] =	ssyncset.done $0x0  }
0x2b: {  	s26 =	simm.s32 $0x2880;
	[sflag:s19] =	ssyncadd.s32 $0xFFFFFC00  }
0x2c: {  	[spmem:s3] =	stream.indirect.scatter.add.f32 [tilespmem:s14], [sflag:$0x4], $0x8, s26, s13, $0xb8;
	[tilespmem:$0x8500] =	vst v63  }
0x2d: {  	_ =	swait.ge [sflag:s11], $0x400  }
0x2e: {  	[sflag:s11] =	ssyncset.done $0x0  }
0x2f: {  	s31 =	simm.s32 $0x180;
	[sflag:s11] =	ssyncadd.s32 $0xFFFFFC00  }
0x30: {  	[tilespmem:s14], [sflag:$0x1] =	stream.indirect.gather [hbm4b:s5+s13], $0x8, s31, s13, $0xb8;
	[tilespmem:$0x8500] =	vst v63  }
0x31: {  	_ =	swait.ge [sflag:s20], $0x400  }
0x32: {  	[sflag:s20] =	ssyncset.done $0x0  }
0x33: {  	s29 =	simm.s32 $0x2900;
	[sflag:s20] =	ssyncadd.s32 $0xFFFFFC00  }
0x34: {  	[spmem:s3] =	stream.indirect.scatter.add.f32 [tilespmem:s15], [sflag:$0x4], $0x8, s29, s13, $0xb8;
	[tilespmem:$0x8500] =	vst v63  }
0x35: {  	_ =	swait.ge [sflag:s11], $0x400  }
0x36: {  	[sflag:s11] =	ssyncset.done $0x0  }
0x37: {  	s30 =	simm.s32 $0x200;
	[sflag:s11] =	ssyncadd.s32 $0xFFFFFC00  }
0x38: {  	[tilespmem:s15], [sflag:$0x2] =	stream.indirect.gather [hbm4b:s5+s13], $0x8, s30, s13, $0xb8;
	[tilespmem:$0x8500] =	vst v63  }
0x39: {  	_ =	swait.ge [sflag:s21], $0x400  }
0x3a: {  	[sflag:s21] =	ssyncset.done $0x0  }
0x3b: {  	s31 =	simm.s32 $0x2980;
	[sflag:s21] =	ssyncadd.s32 $0xFFFFFC00  }
0x3c: {  	[spmem:s3] =	stream.indirect.scatter.add.f32 [tilespmem:s17], [sflag:$0x4], $0x8, s31, s13, $0xb8;
	[tilespmem:$0x8500] =	vst v63  }
0x3d: {  	_ =	swait.ge [sflag:s11], $0x400  }
0x3e: {  	[sflag:s11] =	ssyncset.done $0x0  }
0x3f: {  	s28 =	simm.s32 $0x280;
	s26 =	simm.s32 $0x600;
	[sflag:s11] =	ssyncadd.s32 $0xFFFFFC00  }
.LBB2_2:
0x40: {  	[tilespmem:s17], [sflag:$0x3] =	stream.indirect.gather [hbm4b:s5+s13], $0x8, s28, s13, $0xb8;
	[tilespmem:$0x8500] =	vst v63  }
0x41: {  	s28 =	smov.u32 s26  }
0x42: {  	p0 =	sne.s32 s26, $0x9600;
	s26 =	sadd.s32 $0x600, s26;
	_ =	swait.ge [sflag:s19], $0x400  }
0x43: {  	s28 =	sshra.s32 s28, $0x2;
	[sflag:s19] =	ssyncset.done $0x0  }
0x44: {  	s29 =	sadd.s32 $0x2880, s28;
	[sflag:s19] =	ssyncadd.s32 $0xFFFFFC00  }
0x45: {  	[spmem:s3] =	stream.indirect.scatter.add.f32 [tilespmem:s14], [sflag:$0x4], $0x8, s29, s13, $0xb8;
	[tilespmem:$0x8500] =	vst v63  }
0x46: {  	_ =	swait.ge [sflag:s11], $0x400  }
0x47: {  	[sflag:s11] =	ssyncset.done $0x0  }
0x48: {  	s29 =	sadd.s32 $0x180, s28;
	[sflag:s11] =	ssyncadd.s32 $0xFFFFFC00  }
0x49: {  	[tilespmem:s14], [sflag:$0x1] =	stream.indirect.gather [hbm4b:s5+s13], $0x8, s29, s13, $0xb8;
	[tilespmem:$0x8500] =	vst v63  }
0x4a: {  	_ =	swait.ge [sflag:s20], $0x400  }
0x4b: {  	[sflag:s20] =	ssyncset.done $0x0  }
0x4c: {  	s29 =	sadd.s32 $0x2900, s28;
	[sflag:s20] =	ssyncadd.s32 $0xFFFFFC00  }
0x4d: {  	[spmem:s3] =	stream.indirect.scatter.add.f32 [tilespmem:s15], [sflag:$0x4], $0x8, s29, s13, $0xb8;
	[tilespmem:$0x8500] =	vst v63  }
0x4e: {  	_ =	swait.ge [sflag:s11], $0x400  }
0x4f: {  	[sflag:s11] =	ssyncset.done $0x0  }
0x50: {  	s29 =	sadd.s32 $0x200, s28;
	[sflag:s11] =	ssyncadd.s32 $0xFFFFFC00  }
0x51: {  	[tilespmem:s15], [sflag:$0x2] =	stream.indirect.gather [hbm4b:s5+s13], $0x8, s29, s13, $0xb8;
	[tilespmem:$0x8500] =	vst v63  }
0x52: {  	_ =	swait.ge [sflag:s21], $0x400  }
0x53: {  	[sflag:s21] =	ssyncset.done $0x0  }
.Ltmp0:
0x54: {  	s29 =	sadd.s32 $0x2980, s28;
	[sflag:s21] =	ssyncadd.s32 $0xFFFFFC00;
	(pc) =	sbr.rel @p0 .LBB2_2-.Ltmp0, $4  }
0x55: {  	[spmem:s3] =	stream.indirect.scatter.add.f32 [tilespmem:s17], [sflag:$0x4], $0x8, s29, s13, $0xb8;
	[tilespmem:$0x8500] =	vst v63  }
0x56: {  	_ =	swait.ge [sflag:s11], $0x400  }
0x57: {  	[sflag:s11] =	ssyncset.done $0x0  }
0x58: {  	s28 =	sadd.s32 $0x280, s28;
	[sflag:s11] =	ssyncadd.s32 $0xFFFFFC00  }
0x59: {  	[tilespmem:s17], [sflag:$0x3] =	stream.indirect.gather [hbm4b:s5+s13], $0x8, s28, s13, $0xb8;
	[tilespmem:$0x8500] =	vst v63  }
0x5a: {  	_ =	swait.ge [sflag:s19], $0x400  }
0x5b: {  	[sflag:s19] =	ssyncset.done $0x0  }
0x5c: {  	[sflag:s19] =	ssyncadd.s32 $0xFFFFFC00  }
0x5d: {  	[spmem:s3] =	stream.indirect.scatter.add.f32 [tilespmem:s14], [sflag:$0x4], $0x8, s22, s13, $0xb8;
	[tilespmem:$0x8500] =	vst v63  }
0x5e: {  	_ =	swait.ge [sflag:s11], $0x400  }
0x5f: {  	[sflag:s11] =	ssyncset.done $0x0  }
0x60: {  	[sflag:s11] =	ssyncadd.s32 $0xFFFFFC00  }
0x61: {  	_ =	swait.ge [sflag:s20], $0x400  }
0x62: {  	[sflag:s20] =	ssyncset.done $0x0  }
0x63: {  	[sflag:s20] =	ssyncadd.s32 $0xFFFFFC00  }
0x64: {  	[spmem:s3] =	stream.indirect.scatter.add.f32 [tilespmem:s15], [sflag:$0x4], $0x8, s23, s13, $0xb8;
	[tilespmem:$0x8500] =	vst v63  }
0x65: {  	_ =	swait.ge [sflag:s11], $0x400  }
0x66: {  	[sflag:s11] =	ssyncset.done $0x0  }
0x67: {  	[sflag:s11] =	ssyncadd.s32 $0xFFFFFC00  }
0x68: {  	_ =	swait.ge [sflag:s21], $0x400  }
0x69: {  	[sflag:s21] =	ssyncset.done $0x0  }
0x6a: {  	[sflag:s21] =	ssyncadd.s32 $0xFFFFFC00  }
0x6b: {  	[spmem:s3] =	stream.indirect.scatter.add.f32 [tilespmem:s17], [sflag:$0x4], $0x8, s24, s13, $0xb8;
	[tilespmem:$0x8500] =	vst v63  }
0x6c: {  	_ =	swait.ge [sflag:s11], $0x400  }
0x6d: {  	[sflag:s11] =	ssyncset.done $0x0  }
0x6e: {  	[sflag:s11] =	ssyncadd.s32 $0xFFFFFC00  }
0x6f: {  	[bflag:$0x0] =	sbarrier.arrive $0xFFFF  }
0x70: {  	[tilespmem:s18], [sflag:$0x4] =	stream.linear.gather [spmem:s8], $0x1400, $0x38;
	[tilespmem:$0x8500] =	vst v63  }
0x71: {  	s25 =	sadd.s32 $0x1, s25;
	_ =	swait.ge [sflag:s11], $0x1400  }
0x72: {  	p0 =	sne.s32 s25, s10;
	[sflag:s11] =	ssyncset.done $0x0  }
.Ltmp1:
0x73: {  	[sflag:s11] =	ssyncadd.s32 $0xFFFFEC00;
	(pc) =	sbr.rel @p0 .LBB2_1-.Ltmp1, $4  }
0x74: {  	[hbm4b:s9+s4] =	stream.linear.scatter [tilespmem:s18], [sflag:$0x4], $0x1400, $0x38;
	[tilespmem:$0x8500] =	vst v63  }
0x75: {  	_ =	swait.ge [sflag:s11], $0x1400  }
0x76: {  	[sflag:s11] =	ssyncset.done $0x0  }
0x77: {  	[sflag:s11] =	ssyncadd.s32 $0xFFFFEC00  }
0x78: {  	_ =	sfence.sel $0x180000  }
0x79: {  	[bflag:$0x0] =	sbarrier.arrive $0xFFFF  }
0x7a: {  	p0 =	sne.s32 s0, $0x0;
	_ =	strace $0x9000004A  }
0x7b: {  	s0 =	sadd.s32 @!p0 $0x100000, s1;
	[bflag:$0x2] =	sbarrier.arrive $0xFFFF  }
0x7c: {  	[sflag:s0] =	ssyncadd.tile.s32 @!p0 $0x1;
	_ =	shalt  }
.Lfunc_end2:
_tile_overlayer_lowered:
.L_overlay_start_2:
0x7d: {  	(tag) =	ssettag $0x2  }
0x7e: {  	s0 =	rddreg [dreg:$0x0];
	s2 =	stileid.u32  }
0x7f: {  	s1 =	rddreg [dreg:$0x1];
	p0 =	sne.s32 s2, $0x0  }
0x80: {  	s3 =	rddreg [dreg:$0x2];
	[bflag:$0x3] =	sbarrier.arrive $0xFFFF;
	s2 =	simm.s32 @!p0 $0x1C04  }
0x81: {  	[timem:s3], [sflag:s2] =	dma.local @!p0 [hbm:s0], s1  }
0x82: {  	s0 =	simm.s32 @!p0 $0x4  }
0x83: {  	_ =	swait.ge @!p0 [sflag:s0], s1  }
0x84: {  	s1 =	ssub.s32 @!p0 $0x0, s1;
	[sflag:s0] =	ssyncset.done @!p0 $0x0  }
0x85: {  	[sflag:s0] =	ssyncadd.s32 @!p0 s1  }
0x86: {  	[bflag:$0x3] =	sbarrier.arrive $0xFFFF  }
0x87: {  	_ =	shalt  }

// kernel: kernel.15.cloned.1.call-start
scs
__scs_entry_jumppad:
0x0: {  	(pc) =	sbr.rel $0x88, $3  }
0x1: {  	(tag) =	ssettag $0x0;
	lr =	simm.s32 $0x1  }
0x2: {  	[smem:$0x3F9B] =	sst lr;
	_ =	strace $0xD0000000  }
0x3: {  	_ = 	snop  }
0x4: {  	_ = 	snop  }
0x5: {  	_ = 	snop  }
0x6: {  	_ = 	snop  }
0x7: {  	_ = 	snop  }
__scs_overlays_trampoline_lowered:
0x8: {  	[smem:$0x3FAA] =	sst s0  }
0x9: {  	[smem:$0x3FAB] =	sst s1  }
0xa: {  	[smem:$0x3FAC] =	sst s2  }
0xb: {  	[smem:$0x3FAD] =	sst s3  }
0xc: {  	[smem:$0x3FAE] =	sst s4  }
0xd: {  	[smem:$0x3FAF] =	sst s5  }
0xe: {  	[smem:$0x3FB0] =	sst s6  }
0xf: {  	[smem:$0x3FB1] =	sst s7  }
0x10: {  	[smem:$0x3FB2] =	sst s8  }
0x11: {  	[smem:$0x3FB3] =	sst s9;
	s0 =	simm.s32 @!p0 $0x0  }
0x12: {  	s1 =	sld [smem:$0x3F99];
	s0 =	simm.s32 @p0 $0x1  }
0x13: {  	[smem:$0x3FB4] =	sst s0;
	s0 =	simm.s32 @!p1 $0x0  }
0x14: {  	s2 =	sld [smem:$0x3F98];
	s0 =	simm.s32 @p1 $0x1  }
0x15: {  	[smem:$0x3FB5] =	sst s0;
	s0 =	simm.s32 @!p2 $0x0  }
0x16: {  	s3 =	sld [smem:$0x3FDB];
	s0 =	simm.s32 @p2 $0x1  }
0x17: {  	s4 =	simm.s32 $0x1BF5;
	[smem:$0x3FB7] =	sst s0  }
0x18: {  	s0 =	sld [smem:$0x3F9A];
	_ =	swait.ge [sflag:s4], $0x0  }
0x19: {  	s7 =	sld [smem:$0x3F9B]  }
0x1a: {  	s8 =	sadd.s32 $0xFFFFE003, lr  }
0x1b: {  	s9 =	sadd.s32 $0xFFFFFEF7, lr;
	s5 =	simm.s32 $0xFFFFFFFF;
	p2 =	slt.u32 s8, $0xFFFFF086  }
0x1c: {  	p1 =	slt.u32 s9, $0xF7A;
	s5 =	simm.s32 @!p2 $0x0  }
0x1d: {  	s5 =	simm.s32 @p1 $0x1;
	p0 =	seq.s32 s7, s2  }
0x1e: {  	s7 =	smul.u32 @!p0 $0xF7A, s2;
	p2 =	seq.s32 @!p0 s5, $0x0  }
0x1f: {  	s9 =	smul.u32 $0xF7A, s1;
	s8 =	simm.s32 @!p0 $0x1BF5;
	p2 =	por !p2, p0  }
0x20: {  	[sflag:s8] =	ssyncset.s32 @!p0 $0xFFFFF086;
	s6 =	sadd.s32 @!p0 s3, s7;
	s7 =	simm.s32 @!p0 $0x108  }
0x21: {  	s3 =	sadd.s32 s3, s9;
	s6 =	sadd.s32 @!p0 $0x88, s6;
	s7 =	simm.s32 @p2 $0x1082  }
0x22: {  	[simem:s7], [sflag:s8] =	dma.local @!p0 [hbm:s6], $0xF7A  }
0x23: {  	s9 =	sor.u32 $0xD0000000, s2;
	s6 =	simm.s32 $0x108;
	_ =	swait.ge @!p0 [sflag:s8], $0x0  }
0x24: {  	s3 =	sadd.s32 $0x88, s3;
	s6 =	simm.s32 @!p1 $0x1082;
	[sflag:s4] =	ssyncset.s32 $0xFFFFF086  }
0x25: {  	[simem:s6], [sflag:s4] =	dma.local [hbm:s3], $0xF7A  }
0x26: {  	[smem:$0x3F9B] =	sst s1;
	(tag) =	ssettag s2;
	_ =	strace s9  }
0x27: {  	s1 =	sld [smem:$0x3FAB]  }
0x28: {  	s2 =	sld [smem:$0x3FAC]  }
0x29: {  	s4 =	sld [smem:$0x3FAE]  }
0x2a: {  	p0 =	seq.s32 s5, $0x0;
	s5 =	sld [smem:$0x3FAF]  }
0x2b: {  	s6 =	sld [smem:$0x3FB0]  }
0x2c: {  	s7 =	sld [smem:$0x3FB1]  }
0x2d: {  	s3 =	simm.s32 $0x108;
	s8 =	sld [smem:$0x3FB2]  }
0x2e: {  	s3 =	simm.s32 @!p0 $0x1082;
	s9 =	sld [smem:$0x3FB3]  }
0x2f: {  	lr =	sadd.s32 s0, s3;
	s0 =	sld [smem:$0x3FAA]  }
0x30: {  	s3 =	sld [smem:$0x3FAD]  }
0x31: {  	[smem:$0x3FB6] =	sst s10  }
0x32: {  	s10 =	sld [smem:$0x3FB4];
	_ =	sdelay $0x3  }
0x33: {  	p0 =	seq.s32 s10, $0x1;
	s10 =	sld [smem:$0x3FB6];
	_ =	sdelay $0x3  }
0x34: {  	[smem:$0x3FB6] =	sst s10  }
0x35: {  	s10 =	sld [smem:$0x3FB5];
	_ =	sdelay $0x3  }
0x36: {  	p1 =	seq.s32 s10, $0x1;
	s10 =	sld [smem:$0x3FB6];
	_ =	sdelay $0x3  }
0x37: {  	[smem:$0x3FB6] =	sst s10  }
0x38: {  	s10 =	sld [smem:$0x3FB7]  }
0x39: {  	_ = 	snop;
	(pc) =	sbr.ind lr, $3  }
0x3a: {  	_ = 	snop  }
0x3b: {  	_ = 	snop  }
0x3c: {  	p2 =	seq.s32 s10, $0x1;
	s10 =	sld [smem:$0x3FB6]  }
0x3d: {  	_ =	shalt  }
0x3e: {  	_ =	shalt  }
0x3f: {  	_ =	shalt  }
0x40: {  	_ =	shalt  }
0x41: {  	_ =	shalt  }
0x42: {  	_ =	shalt  }
0x43: {  	_ =	shalt  }
0x44: {  	_ =	shalt  }
0x45: {  	_ =	shalt  }
0x46: {  	_ =	shalt  }
0x47: {  	_ =	shalt  }
0x48: {  	_ =	shalt  }
0x49: {  	_ =	shalt  }
0x4a: {  	_ =	shalt  }
0x4b: {  	_ =	shalt  }
0x4c: {  	_ =	shalt  }
0x4d: {  	_ =	shalt  }
0x4e: {  	_ =	shalt  }
0x4f: {  	_ =	shalt  }
0x50: {  	_ =	shalt  }
0x51: {  	_ =	shalt  }
0x52: {  	_ =	shalt  }
0x53: {  	_ =	shalt  }
0x54: {  	_ =	shalt  }
0x55: {  	_ =	shalt  }
0x56: {  	_ =	shalt  }
0x57: {  	_ =	shalt  }
0x58: {  	_ =	shalt  }
0x59: {  	_ =	shalt  }
0x5a: {  	_ =	shalt  }
0x5b: {  	_ =	shalt  }
0x5c: {  	_ =	shalt  }
0x5d: {  	_ =	shalt  }
0x5e: {  	_ =	shalt  }
0x5f: {  	_ =	shalt  }
0x60: {  	_ =	shalt  }
0x61: {  	_ =	shalt  }
0x62: {  	_ =	shalt  }
0x63: {  	_ =	shalt  }
0x64: {  	_ =	shalt  }
0x65: {  	_ =	shalt  }
0x66: {  	_ =	shalt  }
0x67: {  	_ =	shalt  }
0x68: {  	_ =	shalt  }
0x69: {  	_ =	shalt  }
0x6a: {  	_ =	shalt  }
0x6b: {  	_ =	shalt  }
0x6c: {  	_ =	shalt  }
0x6d: {  	_ =	shalt  }
0x6e: {  	_ =	shalt  }
0x6f: {  	_ =	shalt  }
0x70: {  	_ =	shalt  }
0x71: {  	_ =	shalt  }
0x72: {  	_ =	shalt  }
0x73: {  	_ =	shalt  }
0x74: {  	_ =	shalt  }
0x75: {  	_ =	shalt  }
0x76: {  	_ =	shalt  }
0x77: {  	_ =	shalt  }
0x78: {  	_ =	shalt  }
0x79: {  	_ =	shalt  }
0x7a: {  	_ =	shalt  }
0x7b: {  	_ =	shalt  }
0x7c: {  	_ =	shalt  }
0x7d: {  	_ =	shalt  }
0x7e: {  	_ =	shalt  }
0x7f: {  	_ =	shalt  }
0x80: {  	_ =	shalt  }
0x81: {  	_ =	shalt  }
0x82: {  	_ =	shalt  }
0x83: {  	_ =	shalt  }
0x84: {  	_ =	shalt  }
0x85: {  	_ =	shalt  }
0x86: {  	_ =	shalt  }
0x87: {  	_ =	shalt  }
.Lfunc_end0:
.L_simem_size_0:
called_computation.2_lowered:
.L_overlay_start_0:
0x88: {  	s2 =	sld [smem:$0x3FD9]  }
0x89: {  	s3 =	sld [smem:$0x3FFE];
	_ =	sdelay $0x1  }
0x8a: {  	s1 =	srdreg.scid  }
0x8b: {  	s0 =	sand.u32 $0x1, s1  }
0x8c: {  	s17 =	sshll.u32 s0, $0xA;
	s2 =	sadd.s32 s3, s2  }
0x8d: {  	s2 =	sadd.s32 s2, s17  }
0x8e: {  	[smem:$0x3FC2] =	sst s2  }
0x8f: {  	_ = 	snop  }
0x90: {  	s2 =	sld [smem:$0x3FD0];
	(tm) =	ssettm $0x1  }
0x91: {  	s18 =	sld [smem:$0x3FFB];
	_ =	sdelay $0x3  }
0x92: {  	_ =	strace s18  }
0x93: {  	s3 =	sld [smem:$0x3FFC];
	_ =	sdelay $0x3  }
0x94: {  	_ =	strace s3  }
0x95: {  	s3 =	sld [smem:$0x3FFD];
	_ =	sdelay $0x3  }
0x96: {  	_ =	strace s3  }
0x97: {  	_ =	strace $0x8FFFFFFF  }
0x98: {  	s19 =	sld [smem:$0x3FDB];
	_ =	sdelay $0x1  }
0x99: {  	s4 =	simm.s32 $_scs_section_size  }
0x9a: {  	s5 =	simm.s32 $_size__tile_overlayer_lowered;
	s6 =	simm.s32 $_tile_overlayer_lowered  }
0x9b: {  	s22 =	simm.s32 $0x1BFF;
	s21 =	sshll.u32 s6, $0x1;
	s3 =	sadd.s32 s4, s19  }
0x9c: {  	s7 =	simm.s32 $0x0;
	s20 =	sshll.u32 s5, $0x1;
	s5 =	sadd.s32 s21, s3  }
0x9d: {  	[timem:s7], [sflag:s22] =	dma.local [hbm:s5], s20  }
0x9e: {  	_ =	swait.ge [sflag:s22], s20  }
0x9f: {  	s4 =	ssub.s32 $0x0, s20;
	[sflag:s22] =	ssyncset.done $0x0  }
0xa0: {  	[sflag:s22] =	ssyncadd.s32 s4;
	_ =	sdelay $0x1  }
0xa1: {  	s23 =	simm.s32 $0x1B8B  }
0xa2: {  	_ =	swait.ge [sflag:s23], $0x1  }
0xa3: {  	[sflag:s23] =	ssyncset.done $0x0  }
0xa4: {  	s25 =	simm.s32 $0x1B8E;
	s24 =	sld [smem:$0x3FFE];
	[sflag:s23] =	ssyncadd.s32 $0xFFFFFFFF  }
0xa5: {  	s26 =	simm.s32 $execute0_lowered;
	[smem:$0x3FD2] =	sst s25  }
0xa6: {  	s5 =	sshll.u32 s26, $0x1;
	_ =	strace $0x8000004C;
	[dreg:$0x1] =	wrdreg $0xFFFFFFFF  }
0xa7: {  	s28 =	simm.s32 $_size_execute0_lowered;
	s3 =	sadd.s32 s3, s5;
	[dreg:$0x0] =	wrdreg $0x0  }
0xa8: {  	s5 =	sshll.u32 s28, $0x1;
	[dreg:$0x2] =	wrdreg s3  }
0xa9: {  	[dreg:$0x3] =	wrdreg s5  }
0xaa: {  	[dreg:$0x4] =	wrdreg $0xC0  }
0xab: {  	_ =	task [dreg:s7], $0x5FFFF  }
0xac: {  	[dreg:$0x1] =	wrdreg $0xFFFFFFFF  }
0xad: {  	[dreg:$0x0] =	wrdreg $0x60  }
0xae: {  	[dreg:$0x2] =	wrdreg s24  }
0xaf: {  	[dreg:$0x3] =	wrdreg s2  }
0xb0: {  	[dreg:$0x4] =	wrdreg $0x71000  }
0xb1: {  	[dreg:$0x5] =	wrdreg $0x9  }
0xb2: {  	_ =	task.clear_ibuf [dreg:s7], $0x6FFFF;
	_ =	strace $0x9000004C  }
0xb3: {  	s29 =	simm.s32 $0x9;
	_ =	strace $0x8000004E  }
0xb4: {  	_ =	swait.ge [sflag:s29], $0x1  }
0xb5: {  	[sflag:s29] =	ssyncadd.s32 $0xFFFFFFFF  }
0xb6: {  	_ =	strace $0x9000004E  }
0xb7: {  	_ =	sfence  }
0xb8: {  	s30 =	sld [smem:$0x0];
	_ =	sdelay $0x2  }
0xb9: {  	s31 =	sshll.u32 s1, $0xD;
	s1 =	sshrl.u32 s1, $0x2  }
0xba: {  	s3 =	sand.u32 $0x4000, s31;
	s1 =	sadd.s32 s1, s30  }
0xbb: {  	s0 =	sor.u32 s3, s0;
	s1 =	sshll.u32 s1, $0x11  }
0xbc: {  	s0 =	sor.u32 s1, s0  }
0xbd: {  	s0 =	sadd.s32 $0x8F2B, s0  }
0xbe: {  	[sflag:s0] =	ssyncadd.remote.s32 $0x1  }
0xbf: {  	_ =	sfence.sel $0xFFFF  }
0xc0: {  	[dreg:$0x0] =	wrdreg $0xFFFFFFFF;
	(pc) =	sbr.abs _section_cstart, $3  }
0xc1: {  	[dreg:$0x1] =	wrdreg $0xFFFFFFFF  }
0xc2: {  	_ =	task.clear_ibuf [dreg:s7], $0x2FFFF;
	_ =	strace $0x9FFFFFFF  }
0xc3: {  	(tm) =	ssettm $0x7FFFFFFF  }
tec
execute0_lowered:
.L_overlay_start_1:
0x0: {  	(tag) =	ssettag $0x1  }
0x1: {  	s6 =	rddreg [dreg:$0x0]  }
0x2: {  	s2 =	rddreg [dreg:$0x1]  }
0x3: {  	s3 =	rddreg [dreg:$0x2]  }
0x4: {  	s0 =	srdreg.scid;
	s1 =	rddreg [dreg:$0x3]  }
0x5: {  	s4 =	simm.s32 $0x0;
	s12 =	simm.s32 $0x2880;
	s13 =	simm.s32 $0x80  }
0x6: {  	s14 =	simm.s32 $0x5100;
	s15 =	simm.s32 $0x5500;
	s16 =	simm.s32 $0x100  }
0x7: {  	s17 =	simm.s32 $0x5900;
	s18 =	simm.s32 $0x5D00;
	s19 =	simm.s32 $0x1  }
0x8: {  	s20 =	simm.s32 $0x2;
	s21 =	simm.s32 $0x3;
	s5 =	sand.u32 $0x1, s0  }
0x9: {  	s22 =	simm.s32 $0x4F80;
	s0 =	stileid.u32;
	s7 =	smul.u32 $0x28800, s5  }
0xa: {  	s23 =	simm.s32 $0x5000;
	s24 =	simm.s32 $0x5080;
	s8 =	smul.u32 $0x2880, s0  }
0xb: {  	s25 =	simm.s32 $0x0;
	[smem:$0x7FF] =	sst s4;
	s9 =	smul.u32 $0x1400, s0  }
0xc: {  	s10 =	smul.u32 $0x14000, s5;
	_ =	strace $0x8000004D;
	s30 =	ssub.s32 $0x2, s5  }
0xd: {  	s5 =	sadd.s32 $0x1C00, s6;
	s31 =	sshrl.u32 s30, $0x1;
	s7 =	sadd.s32 s8, s7  }
0xe: {  	s29 =	sadd.s32 s9, s10;
	s10 =	ssub.s32 s30, s31;
	s7 =	sshrl.u32 s7, $0x3  }
0xf: {  	s8 =	sshrl.u32 s29, $0x3;
	s10 =	smax.u32 s10, $0x1;
	s7 =	sadd.s32 s7, s6  }
0x10: {  	s11 =	sadd.s32 s8, s6;
	s8 =	sadd.s32 s9, s3;
	s6 =	sadd.s32 $0x16800, s7  }
0x11: {  	s7 =	sadd.s32 $0xC600, s7;
	s9 =	sadd.s32 $0x4400, s11;
	s11 =	simm.s32 $0x4  }
.LBB2_1:
0x12: {  	[tilespmem:s4], [sflag:$0x4] =	stream.linear.gather [hbm4b:s6+s4], $0x2880, $0x38;
	[tilespmem:$0x8500] =	vst v63  }
0x13: {  	_ =	swait.ge [sflag:s11], $0x2880  }
0x14: {  	[sflag:s11] =	ssyncset.done $0x0  }
0x15: {  	[sflag:s11] =	ssyncadd.s32 $0xFFFFD780  }
0x16: {  	[tilespmem:s12], [sflag:$0x4] =	stream.linear.gather [hbm4b:s7+s4], $0x2880, $0x38;
	[tilespmem:$0x8500] =	vst v63  }
0x17: {  	_ =	swait.ge [sflag:s11], $0x2880  }
0x18: {  	[sflag:s11] =	ssyncset.done $0x0  }
0x19: {  	[sflag:s11] =	ssyncadd.s32 $0xFFFFD780  }
0x1a: {  	[tilespmem:s14], [sflag:$0x1] =	stream.indirect.gather [hbm4b:s5+s13], $0x8, s4, s13, $0xb8;
	[tilespmem:$0x8500] =	vst v63  }
0x1b: {  	_ = 	snop  }
0x1c: {  	[tilespmem:s15], [sflag:$0x2] =	stream.indirect.gather [hbm4b:s5+s13], $0x8, s13, s13, $0xb8;
	[tilespmem:$0x8500] =	vst v63  }
0x1d: {  	_ = 	snop  }
0x1e: {  	[tilespmem:s17], [sflag:$0x3] =	stream.indirect.gather [hbm4b:s5+s13], $0x8, s16, s13, $0xb8;
	[tilespmem:$0x8500] =	vst v63  }
0x1f: {  	_ = 	snop  }
0x20: {  	[tilespmem:s18], [sflag:$0x4] =	stream.linear.gather [hbm4b:s2+s4], $0x1400, $0x38;
	[tilespmem:$0x8500] =	vst v63  }
0x21: {  	_ =	swait.ge [sflag:s11], $0x1400  }
0x22: {  	[sflag:s11] =	ssyncset.done $0x0  }
0x23: {  	[sflag:s11] =	ssyncadd.s32 $0xFFFFEC00  }
0x24: {  	[spmem:s8] =	stream.linear.scatter [tilespmem:s18], [sflag:$0x4], $0x1400, $0x38;
	[tilespmem:$0x8500] =	vst v63  }
0x25: {  	_ =	swait.ge [sflag:s11], $0x1400  }
0x26: {  	[sflag:s11] =	ssyncset.done $0x0  }
0x27: {  	[sflag:s11] =	ssyncadd.s32 $0xFFFFEC00  }
0x28: {  	[bflag:$0x0] =	sbarrier.arrive $0xFFFF  }
0x29: {  	_ =	swait.ge [sflag:s19], $0x400  }
0x2a: {  	[sflag:s19] =	ssyncset.done $0x0  }
0x2b: {  	s26 =	simm.s32 $0x2880;
	[sflag:s19] =	ssyncadd.s32 $0xFFFFFC00  }
0x2c: {  	[spmem:s3] =	stream.indirect.scatter.add.f32 [tilespmem:s14], [sflag:$0x4], $0x8, s26, s13, $0xb8;
	[tilespmem:$0x8500] =	vst v63  }
0x2d: {  	_ =	swait.ge [sflag:s11], $0x400  }
0x2e: {  	[sflag:s11] =	ssyncset.done $0x0  }
0x2f: {  	s31 =	simm.s32 $0x180;
	[sflag:s11] =	ssyncadd.s32 $0xFFFFFC00  }
0x30: {  	[tilespmem:s14], [sflag:$0x1] =	stream.indirect.gather [hbm4b:s5+s13], $0x8, s31, s13, $0xb8;
	[tilespmem:$0x8500] =	vst v63  }
0x31: {  	_ =	swait.ge [sflag:s20], $0x400  }
0x32: {  	[sflag:s20] =	ssyncset.done $0x0  }
0x33: {  	s29 =	simm.s32 $0x2900;
	[sflag:s20] =	ssyncadd.s32 $0xFFFFFC00  }
0x34: {  	[spmem:s3] =	stream.indirect.scatter.add.f32 [tilespmem:s15], [sflag:$0x4], $0x8, s29, s13, $0xb8;
	[tilespmem:$0x8500] =	vst v63  }
0x35: {  	_ =	swait.ge [sflag:s11], $0x400  }
0x36: {  	[sflag:s11] =	ssyncset.done $0x0  }
0x37: {  	s30 =	simm.s32 $0x200;
	[sflag:s11] =	ssyncadd.s32 $0xFFFFFC00  }
0x38: {  	[tilespmem:s15], [sflag:$0x2] =	stream.indirect.gather [hbm4b:s5+s13], $0x8, s30, s13, $0xb8;
	[tilespmem:$0x8500] =	vst v63  }
0x39: {  	_ =	swait.ge [sflag:s21], $0x400  }
0x3a: {  	[sflag:s21] =	ssyncset.done $0x0  }
0x3b: {  	s31 =	simm.s32 $0x2980;
	[sflag:s21] =	ssyncadd.s32 $0xFFFFFC00  }
0x3c: {  	[spmem:s3] =	stream.indirect.scatter.add.f32 [tilespmem:s17], [sflag:$0x4], $0x8, s31, s13, $0xb8;
	[tilespmem:$0x8500] =	vst v63  }
0x3d: {  	_ =	swait.ge [sflag:s11], $0x400  }
0x3e: {  	[sflag:s11] =	ssyncset.done $0x0  }
0x3f: {  	s28 =	simm.s32 $0x280;
	s26 =	simm.s32 $0x600;
	[sflag:s11] =	ssyncadd.s32 $0xFFFFFC00  }
.LBB2_2:
0x40: {  	[tilespmem:s17], [sflag:$0x3] =	stream.indirect.gather [hbm4b:s5+s13], $0x8, s28, s13, $0xb8;
	[tilespmem:$0x8500] =	vst v63  }
0x41: {  	s28 =	smov.u32 s26  }
0x42: {  	p0 =	sne.s32 s26, $0x9600;
	s26 =	sadd.s32 $0x600, s26;
	_ =	swait.ge [sflag:s19], $0x400  }
0x43: {  	s28 =	sshra.s32 s28, $0x2;
	[sflag:s19] =	ssyncset.done $0x0  }
0x44: {  	s29 =	sadd.s32 $0x2880, s28;
	[sflag:s19] =	ssyncadd.s32 $0xFFFFFC00  }
0x45: {  	[spmem:s3] =	stream.indirect.scatter.add.f32 [tilespmem:s14], [sflag:$0x4], $0x8, s29, s13, $0xb8;
	[tilespmem:$0x8500] =	vst v63  }
0x46: {  	_ =	swait.ge [sflag:s11], $0x400  }
0x47: {  	[sflag:s11] =	ssyncset.done $0x0  }
0x48: {  	s29 =	sadd.s32 $0x180, s28;
	[sflag:s11] =	ssyncadd.s32 $0xFFFFFC00  }
0x49: {  	[tilespmem:s14], [sflag:$0x1] =	stream.indirect.gather [hbm4b:s5+s13], $0x8, s29, s13, $0xb8;
	[tilespmem:$0x8500] =	vst v63  }
0x4a: {  	_ =	swait.ge [sflag:s20], $0x400  }
0x4b: {  	[sflag:s20] =	ssyncset.done $0x0  }
0x4c: {  	s29 =	sadd.s32 $0x2900, s28;
	[sflag:s20] =	ssyncadd.s32 $0xFFFFFC00  }
0x4d: {  	[spmem:s3] =	stream.indirect.scatter.add.f32 [tilespmem:s15], [sflag:$0x4], $0x8, s29, s13, $0xb8;
	[tilespmem:$0x8500] =	vst v63  }
0x4e: {  	_ =	swait.ge [sflag:s11], $0x400  }
0x4f: {  	[sflag:s11] =	ssyncset.done $0x0  }
0x50: {  	s29 =	sadd.s32 $0x200, s28;
	[sflag:s11] =	ssyncadd.s32 $0xFFFFFC00  }
0x51: {  	[tilespmem:s15], [sflag:$0x2] =	stream.indirect.gather [hbm4b:s5+s13], $0x8, s29, s13, $0xb8;
	[tilespmem:$0x8500] =	vst v63  }
0x52: {  	_ =	swait.ge [sflag:s21], $0x400  }
0x53: {  	[sflag:s21] =	ssyncset.done $0x0  }
.Ltmp0:
0x54: {  	s29 =	sadd.s32 $0x2980, s28;
	[sflag:s21] =	ssyncadd.s32 $0xFFFFFC00;
	(pc) =	sbr.rel @p0 .LBB2_2-.Ltmp0, $4  }
0x55: {  	[spmem:s3] =	stream.indirect.scatter.add.f32 [tilespmem:s17], [sflag:$0x4], $0x8, s29, s13, $0xb8;
	[tilespmem:$0x8500] =	vst v63  }
0x56: {  	_ =	swait.ge [sflag:s11], $0x400  }
0x57: {  	[sflag:s11] =	ssyncset.done $0x0  }
0x58: {  	s28 =	sadd.s32 $0x280, s28;
	[sflag:s11] =	ssyncadd.s32 $0xFFFFFC00  }
0x59: {  	[tilespmem:s17], [sflag:$0x3] =	stream.indirect.gather [hbm4b:s5+s13], $0x8, s28, s13, $0xb8;
	[tilespmem:$0x8500] =	vst v63  }
0x5a: {  	_ =	swait.ge [sflag:s19], $0x400  }
0x5b: {  	[sflag:s19] =	ssyncset.done $0x0  }
0x5c: {  	[sflag:s19] =	ssyncadd.s32 $0xFFFFFC00  }
0x5d: {  	[spmem:s3] =	stream.indirect.scatter.add.f32 [tilespmem:s14], [sflag:$0x4], $0x8, s22, s13, $0xb8;
	[tilespmem:$0x8500] =	vst v63  }
0x5e: {  	_ =	swait.ge [sflag:s11], $0x400  }
0x5f: {  	[sflag:s11] =	ssyncset.done $0x0  }
0x60: {  	[sflag:s11] =	ssyncadd.s32 $0xFFFFFC00  }
0x61: {  	_ =	swait.ge [sflag:s20], $0x400  }
0x62: {  	[sflag:s20] =	ssyncset.done $0x0  }
0x63: {  	[sflag:s20] =	ssyncadd.s32 $0xFFFFFC00  }
0x64: {  	[spmem:s3] =	stream.indirect.scatter.add.f32 [tilespmem:s15], [sflag:$0x4], $0x8, s23, s13, $0xb8;
	[tilespmem:$0x8500] =	vst v63  }
0x65: {  	_ =	swait.ge [sflag:s11], $0x400  }
0x66: {  	[sflag:s11] =	ssyncset.done $0x0  }
0x67: {  	[sflag:s11] =	ssyncadd.s32 $0xFFFFFC00  }
0x68: {  	_ =	swait.ge [sflag:s21], $0x400  }
0x69: {  	[sflag:s21] =	ssyncset.done $0x0  }
0x6a: {  	[sflag:s21] =	ssyncadd.s32 $0xFFFFFC00  }
0x6b: {  	[spmem:s3] =	stream.indirect.scatter.add.f32 [tilespmem:s17], [sflag:$0x4], $0x8, s24, s13, $0xb8;
	[tilespmem:$0x8500] =	vst v63  }
0x6c: {  	_ =	swait.ge [sflag:s11], $0x400  }
0x6d: {  	[sflag:s11] =	ssyncset.done $0x0  }
0x6e: {  	[sflag:s11] =	ssyncadd.s32 $0xFFFFFC00  }
0x6f: {  	[bflag:$0x0] =	sbarrier.arrive $0xFFFF  }
0x70: {  	[tilespmem:s18], [sflag:$0x4] =	stream.linear.gather [spmem:s8], $0x1400, $0x38;
	[tilespmem:$0x8500] =	vst v63  }
0x71: {  	s25 =	sadd.s32 $0x1, s25;
	_ =	swait.ge [sflag:s11], $0x1400  }
0x72: {  	p0 =	sne.s32 s25, s10;
	[sflag:s11] =	ssyncset.done $0x0  }
.Ltmp1:
0x73: {  	[sflag:s11] =	ssyncadd.s32 $0xFFFFEC00;
	(pc) =	sbr.rel @p0 .LBB2_1-.Ltmp1, $4  }
0x74: {  	[hbm4b:s9+s4] =	stream.linear.scatter [tilespmem:s18], [sflag:$0x4], $0x1400, $0x38;
	[tilespmem:$0x8500] =	vst v63  }
0x75: {  	_ =	swait.ge [sflag:s11], $0x1400  }
0x76: {  	[sflag:s11] =	ssyncset.done $0x0  }
0x77: {  	[sflag:s11] =	ssyncadd.s32 $0xFFFFEC00  }
0x78: {  	_ =	sfence.sel $0x180000  }
0x79: {  	[bflag:$0x0] =	sbarrier.arrive $0xFFFF  }
0x7a: {  	p0 =	sne.s32 s0, $0x0;
	_ =	strace $0x9000004D  }
0x7b: {  	s0 =	sadd.s32 @!p0 $0x100000, s1;
	[bflag:$0x2] =	sbarrier.arrive $0xFFFF  }
0x7c: {  	[sflag:s0] =	ssyncadd.tile.s32 @!p0 $0x1;
	_ =	shalt  }
.Lfunc_end2:
_tile_overlayer_lowered:
.L_overlay_start_2:
0x7d: {  	(tag) =	ssettag $0x2  }
0x7e: {  	s0 =	rddreg [dreg:$0x0];
	s2 =	stileid.u32  }
0x7f: {  	s1 =	rddreg [dreg:$0x1];
	p0 =	sne.s32 s2, $0x0  }
0x80: {  	s3 =	rddreg [dreg:$0x2];
	[bflag:$0x3] =	sbarrier.arrive $0xFFFF;
	s2 =	simm.s32 @!p0 $0x1C04  }
0x81: {  	[timem:s3], [sflag:s2] =	dma.local @!p0 [hbm:s0], s1  }
0x82: {  	s0 =	simm.s32 @!p0 $0x4  }
0x83: {  	_ =	swait.ge @!p0 [sflag:s0], s1  }
0x84: {  	s1 =	ssub.s32 @!p0 $0x0, s1;
	[sflag:s0] =	ssyncset.done @!p0 $0x0  }
0x85: {  	[sflag:s0] =	ssyncadd.s32 @!p0 s1  }
0x86: {  	[bflag:$0x3] =	sbarrier.arrive $0xFFFF  }
0x87: {  	_ =	shalt  }

// kernel: kernel.9.cloned.1.call-start
scs
__scs_entry_jumppad:
0x0: {  	(pc) =	sbr.rel $0x88, $3  }
0x1: {  	(tag) =	ssettag $0x0;
	lr =	simm.s32 $0x1  }
0x2: {  	[smem:$0x3F9B] =	sst lr;
	_ =	strace $0xD0000000  }
0x3: {  	_ = 	snop  }
0x4: {  	_ = 	snop  }
0x5: {  	_ = 	snop  }
0x6: {  	_ = 	snop  }
0x7: {  	_ = 	snop  }
__scs_overlays_trampoline_lowered:
0x8: {  	[smem:$0x3FAA] =	sst s0  }
0x9: {  	[smem:$0x3FAB] =	sst s1  }
0xa: {  	[smem:$0x3FAC] =	sst s2  }
0xb: {  	[smem:$0x3FAD] =	sst s3  }
0xc: {  	[smem:$0x3FAE] =	sst s4  }
0xd: {  	[smem:$0x3FAF] =	sst s5  }
0xe: {  	[smem:$0x3FB0] =	sst s6  }
0xf: {  	[smem:$0x3FB1] =	sst s7  }
0x10: {  	[smem:$0x3FB2] =	sst s8  }
0x11: {  	[smem:$0x3FB3] =	sst s9;
	s0 =	simm.s32 @!p0 $0x0  }
0x12: {  	s1 =	sld [smem:$0x3F99];
	s0 =	simm.s32 @p0 $0x1  }
0x13: {  	[smem:$0x3FB4] =	sst s0;
	s0 =	simm.s32 @!p1 $0x0  }
0x14: {  	s2 =	sld [smem:$0x3F98];
	s0 =	simm.s32 @p1 $0x1  }
0x15: {  	[smem:$0x3FB5] =	sst s0;
	s0 =	simm.s32 @!p2 $0x0  }
0x16: {  	s3 =	sld [smem:$0x3FDB];
	s0 =	simm.s32 @p2 $0x1  }
0x17: {  	s4 =	simm.s32 $0x1BF5;
	[smem:$0x3FB7] =	sst s0  }
0x18: {  	s0 =	sld [smem:$0x3F9A];
	_ =	swait.ge [sflag:s4], $0x0  }
0x19: {  	s7 =	sld [smem:$0x3F9B]  }
0x1a: {  	s8 =	sadd.s32 $0xFFFFE003, lr  }
0x1b: {  	s9 =	sadd.s32 $0xFFFFFEF7, lr;
	s5 =	simm.s32 $0xFFFFFFFF;
	p2 =	slt.u32 s8, $0xFFFFF086  }
0x1c: {  	p1 =	slt.u32 s9, $0xF7A;
	s5 =	simm.s32 @!p2 $0x0  }
0x1d: {  	s5 =	simm.s32 @p1 $0x1;
	p0 =	seq.s32 s7, s2  }
0x1e: {  	s7 =	smul.u32 @!p0 $0xF7A, s2;
	p2 =	seq.s32 @!p0 s5, $0x0  }
0x1f: {  	s9 =	smul.u32 $0xF7A, s1;
	s8 =	simm.s32 @!p0 $0x1BF5;
	p2 =	por !p2, p0  }
0x20: {  	[sflag:s8] =	ssyncset.s32 @!p0 $0xFFFFF086;
	s6 =	sadd.s32 @!p0 s3, s7;
	s7 =	simm.s32 @!p0 $0x108  }
0x21: {  	s3 =	sadd.s32 s3, s9;
	s6 =	sadd.s32 @!p0 $0x88, s6;
	s7 =	simm.s32 @p2 $0x1082  }
0x22: {  	[simem:s7], [sflag:s8] =	dma.local @!p0 [hbm:s6], $0xF7A  }
0x23: {  	s9 =	sor.u32 $0xD0000000, s2;
	s6 =	simm.s32 $0x108;
	_ =	swait.ge @!p0 [sflag:s8], $0x0  }
0x24: {  	s3 =	sadd.s32 $0x88, s3;
	s6 =	simm.s32 @!p1 $0x1082;
	[sflag:s4] =	ssyncset.s32 $0xFFFFF086  }
0x25: {  	[simem:s6], [sflag:s4] =	dma.local [hbm:s3], $0xF7A  }
0x26: {  	[smem:$0x3F9B] =	sst s1;
	(tag) =	ssettag s2;
	_ =	strace s9  }
0x27: {  	s1 =	sld [smem:$0x3FAB]  }
0x28: {  	s2 =	sld [smem:$0x3FAC]  }
0x29: {  	s4 =	sld [smem:$0x3FAE]  }
0x2a: {  	p0 =	seq.s32 s5, $0x0;
	s5 =	sld [smem:$0x3FAF]  }
0x2b: {  	s6 =	sld [smem:$0x3FB0]  }
0x2c: {  	s7 =	sld [smem:$0x3FB1]  }
0x2d: {  	s3 =	simm.s32 $0x108;
	s8 =	sld [smem:$0x3FB2]  }
0x2e: {  	s3 =	simm.s32 @!p0 $0x1082;
	s9 =	sld [smem:$0x3FB3]  }
0x2f: {  	lr =	sadd.s32 s0, s3;
	s0 =	sld [smem:$0x3FAA]  }
0x30: {  	s3 =	sld [smem:$0x3FAD]  }
0x31: {  	[smem:$0x3FB6] =	sst s10  }
0x32: {  	s10 =	sld [smem:$0x3FB4];
	_ =	sdelay $0x3  }
0x33: {  	p0 =	seq.s32 s10, $0x1;
	s10 =	sld [smem:$0x3FB6];
	_ =	sdelay $0x3  }
0x34: {  	[smem:$0x3FB6] =	sst s10  }
0x35: {  	s10 =	sld [smem:$0x3FB5];
	_ =	sdelay $0x3  }
0x36: {  	p1 =	seq.s32 s10, $0x1;
	s10 =	sld [smem:$0x3FB6];
	_ =	sdelay $0x3  }
0x37: {  	[smem:$0x3FB6] =	sst s10  }
0x38: {  	s10 =	sld [smem:$0x3FB7]  }
0x39: {  	_ = 	snop;
	(pc) =	sbr.ind lr, $3  }
0x3a: {  	_ = 	snop  }
0x3b: {  	_ = 	snop  }
0x3c: {  	p2 =	seq.s32 s10, $0x1;
	s10 =	sld [smem:$0x3FB6]  }
0x3d: {  	_ =	shalt  }
0x3e: {  	_ =	shalt  }
0x3f: {  	_ =	shalt  }
0x40: {  	_ =	shalt  }
0x41: {  	_ =	shalt  }
0x42: {  	_ =	shalt  }
0x43: {  	_ =	shalt  }
0x44: {  	_ =	shalt  }
0x45: {  	_ =	shalt  }
0x46: {  	_ =	shalt  }
0x47: {  	_ =	shalt  }
0x48: {  	_ =	shalt  }
0x49: {  	_ =	shalt  }
0x4a: {  	_ =	shalt  }
0x4b: {  	_ =	shalt  }
0x4c: {  	_ =	shalt  }
0x4d: {  	_ =	shalt  }
0x4e: {  	_ =	shalt  }
0x4f: {  	_ =	shalt  }
0x50: {  	_ =	shalt  }
0x51: {  	_ =	shalt  }
0x52: {  	_ =	shalt  }
0x53: {  	_ =	shalt  }
0x54: {  	_ =	shalt  }
0x55: {  	_ =	shalt  }
0x56: {  	_ =	shalt  }
0x57: {  	_ =	shalt  }
0x58: {  	_ =	shalt  }
0x59: {  	_ =	shalt  }
0x5a: {  	_ =	shalt  }
0x5b: {  	_ =	shalt  }
0x5c: {  	_ =	shalt  }
0x5d: {  	_ =	shalt  }
0x5e: {  	_ =	shalt  }
0x5f: {  	_ =	shalt  }
0x60: {  	_ =	shalt  }
0x61: {  	_ =	shalt  }
0x62: {  	_ =	shalt  }
0x63: {  	_ =	shalt  }
0x64: {  	_ =	shalt  }
0x65: {  	_ =	shalt  }
0x66: {  	_ =	shalt  }
0x67: {  	_ =	shalt  }
0x68: {  	_ =	shalt  }
0x69: {  	_ =	shalt  }
0x6a: {  	_ =	shalt  }
0x6b: {  	_ =	shalt  }
0x6c: {  	_ =	shalt  }
0x6d: {  	_ =	shalt  }
0x6e: {  	_ =	shalt  }
0x6f: {  	_ =	shalt  }
0x70: {  	_ =	shalt  }
0x71: {  	_ =	shalt  }
0x72: {  	_ =	shalt  }
0x73: {  	_ =	shalt  }
0x74: {  	_ =	shalt  }
0x75: {  	_ =	shalt  }
0x76: {  	_ =	shalt  }
0x77: {  	_ =	shalt  }
0x78: {  	_ =	shalt  }
0x79: {  	_ =	shalt  }
0x7a: {  	_ =	shalt  }
0x7b: {  	_ =	shalt  }
0x7c: {  	_ =	shalt  }
0x7d: {  	_ =	shalt  }
0x7e: {  	_ =	shalt  }
0x7f: {  	_ =	shalt  }
0x80: {  	_ =	shalt  }
0x81: {  	_ =	shalt  }
0x82: {  	_ =	shalt  }
0x83: {  	_ =	shalt  }
0x84: {  	_ =	shalt  }
0x85: {  	_ =	shalt  }
0x86: {  	_ =	shalt  }
0x87: {  	_ =	shalt  }
.Lfunc_end0:
.L_simem_size_0:
called_computation_lowered:
.L_overlay_start_0:
0x88: {  	s2 =	sld [smem:$0x3FD9]  }
0x89: {  	s3 =	sld [smem:$0x3FFE];
	_ =	sdelay $0x1  }
0x8a: {  	s1 =	srdreg.scid  }
0x8b: {  	s0 =	sand.u32 $0x1, s1  }
0x8c: {  	s17 =	sshll.u32 s0, $0xA;
	s2 =	sadd.s32 s3, s2  }
0x8d: {  	s2 =	sadd.s32 s2, s17  }
0x8e: {  	[smem:$0x3FC2] =	sst s2  }
0x8f: {  	_ = 	snop  }
0x90: {  	s2 =	sld [smem:$0x3FD0];
	(tm) =	ssettm $0x1  }
0x91: {  	s18 =	sld [smem:$0x3FFB];
	_ =	sdelay $0x3  }
0x92: {  	_ =	strace s18  }
0x93: {  	s3 =	sld [smem:$0x3FFC];
	_ =	sdelay $0x3  }
0x94: {  	_ =	strace s3  }
0x95: {  	s3 =	sld [smem:$0x3FFD];
	_ =	sdelay $0x3  }
0x96: {  	_ =	strace s3  }
0x97: {  	_ =	strace $0x8FFFFFFF  }
0x98: {  	s19 =	sld [smem:$0x3FDB];
	_ =	sdelay $0x1  }
0x99: {  	s4 =	simm.s32 $_scs_section_size  }
0x9a: {  	s5 =	simm.s32 $_size__tile_overlayer_lowered;
	s6 =	simm.s32 $_tile_overlayer_lowered  }
0x9b: {  	s22 =	simm.s32 $0x1BFF;
	s21 =	sshll.u32 s6, $0x1;
	s3 =	sadd.s32 s4, s19  }
0x9c: {  	s7 =	simm.s32 $0x0;
	s20 =	sshll.u32 s5, $0x1;
	s5 =	sadd.s32 s21, s3  }
0x9d: {  	[timem:s7], [sflag:s22] =	dma.local [hbm:s5], s20  }
0x9e: {  	_ =	swait.ge [sflag:s22], s20  }
0x9f: {  	s4 =	ssub.s32 $0x0, s20;
	[sflag:s22] =	ssyncset.done $0x0  }
0xa0: {  	[sflag:s22] =	ssyncadd.s32 s4;
	_ =	sdelay $0x1  }
0xa1: {  	s23 =	simm.s32 $0x1B8B  }
0xa2: {  	_ =	swait.ge [sflag:s23], $0x1  }
0xa3: {  	[sflag:s23] =	ssyncset.done $0x0  }
0xa4: {  	s25 =	simm.s32 $0x1B8E;
	s24 =	sld [smem:$0x3FFE];
	[sflag:s23] =	ssyncadd.s32 $0xFFFFFFFF  }
0xa5: {  	s26 =	simm.s32 $execute0_lowered;
	[smem:$0x3FD2] =	sst s25  }
0xa6: {  	s5 =	sshll.u32 s26, $0x1;
	_ =	strace $0x80000046;
	[dreg:$0x1] =	wrdreg $0xFFFFFFFF  }
0xa7: {  	s28 =	simm.s32 $_size_execute0_lowered;
	s3 =	sadd.s32 s3, s5;
	[dreg:$0x0] =	wrdreg $0x0  }
0xa8: {  	s5 =	sshll.u32 s28, $0x1;
	[dreg:$0x2] =	wrdreg s3  }
0xa9: {  	[dreg:$0x3] =	wrdreg s5  }
0xaa: {  	[dreg:$0x4] =	wrdreg $0xC0  }
0xab: {  	_ =	task [dreg:s7], $0x5FFFF  }
0xac: {  	[dreg:$0x1] =	wrdreg $0xFFFFFFFF  }
0xad: {  	[dreg:$0x0] =	wrdreg $0x60  }
0xae: {  	[dreg:$0x2] =	wrdreg s24  }
0xaf: {  	[dreg:$0x3] =	wrdreg s2  }
0xb0: {  	[dreg:$0x4] =	wrdreg $0x2A580  }
0xb1: {  	[dreg:$0x5] =	wrdreg $0x9  }
0xb2: {  	_ =	task.clear_ibuf [dreg:s7], $0x6FFFF;
	_ =	strace $0x90000046  }
0xb3: {  	s29 =	simm.s32 $0x9;
	_ =	strace $0x80000048  }
0xb4: {  	_ =	swait.ge [sflag:s29], $0x1  }
0xb5: {  	[sflag:s29] =	ssyncadd.s32 $0xFFFFFFFF  }
0xb6: {  	_ =	strace $0x90000048  }
0xb7: {  	_ =	sfence  }
0xb8: {  	s30 =	sld [smem:$0x0];
	_ =	sdelay $0x2  }
0xb9: {  	s31 =	sshll.u32 s1, $0xD;
	s1 =	sshrl.u32 s1, $0x2  }
0xba: {  	s3 =	sand.u32 $0x4000, s31;
	s1 =	sadd.s32 s1, s30  }
0xbb: {  	s0 =	sor.u32 s3, s0;
	s1 =	sshll.u32 s1, $0x11  }
0xbc: {  	s0 =	sor.u32 s1, s0  }
0xbd: {  	s0 =	sadd.s32 $0x8F2B, s0  }
0xbe: {  	[sflag:s0] =	ssyncadd.remote.s32 $0x1  }
0xbf: {  	_ =	sfence.sel $0xFFFF  }
0xc0: {  	[dreg:$0x0] =	wrdreg $0xFFFFFFFF;
	(pc) =	sbr.abs _section_cstart, $3  }
0xc1: {  	[dreg:$0x1] =	wrdreg $0xFFFFFFFF  }
0xc2: {  	_ =	task.clear_ibuf [dreg:s7], $0x2FFFF;
	_ =	strace $0x9FFFFFFF  }
0xc3: {  	(tm) =	ssettm $0x7FFFFFFF  }
tec
execute0_lowered:
.L_overlay_start_1:
0x0: {  	(tag) =	ssettag $0x1  }
0x1: {  	s6 =	rddreg [dreg:$0x0]  }
0x2: {  	s2 =	rddreg [dreg:$0x1]  }
0x3: {  	s0 =	srdreg.scid;
	s3 =	rddreg [dreg:$0x2]  }
0x4: {  	s1 =	rddreg [dreg:$0x3];
	s5 =	sand.u32 $0x1, s0  }
0x5: {  	s4 =	simm.s32 $0x0;
	s0 =	stileid.u32;
	s7 =	smul.u32 $0x27100, s5  }
0x6: {  	s12 =	simm.s32 $0x27D8;
	s13 =	simm.s32 $0xC8;
	s8 =	smul.u32 $0x2710, s0  }
0x7: {  	s14 =	simm.s32 $0x0;
	[smem:$0x7FF] =	sst s4;
	s9 =	smul.u32 $0x280, s0  }
0x8: {  	s10 =	smul.u32 $0x2800, s5;
	_ =	strace $0x80000047;
	s31 =	ssub.s32 $0x2, s5  }
0x9: {  	s5 =	sadd.s32 $0xBA00, s6;
	s11 =	sshrl.u32 s31, $0x1;
	s7 =	sadd.s32 s8, s7  }
0xa: {  	s30 =	sadd.s32 s9, s10;
	s10 =	ssub.s32 s31, s11;
	s7 =	sshrl.u32 s7, $0x3  }
0xb: {  	s11 =	simm.s32 $0x2710;
	s8 =	sshrl.u32 s30, $0x3;
	s7 =	sadd.s32 s7, s6  }
0xc: {  	s8 =	sadd.s32 s8, s6;
	s6 =	sadd.s32 $0x1C00, s7;
	s7 =	sadd.s32 s9, s3  }
0xd: {  	s8 =	sadd.s32 $0xBC00, s8;
	s9 =	smax.u32 s10, $0x1;
	s10 =	simm.s32 $0x1  }
.LBB2_1:
0xe: {  	[tilespmem:s4], [sflag:$0x1] =	stream.linear.gather [hbm4b:s6+s4], $0x2710, $0x38;
	[tilespmem:$0x2CD8] =	vst v63  }
0xf: {  	_ =	swait.ge [sflag:s10], $0x2710  }
0x10: {  	[sflag:s10] =	ssyncset.done $0x0  }
0x11: {  	[sflag:s10] =	ssyncadd.s32 $0xFFFFD8F0  }
0x12: {  	[tilespmem:s11], [sflag:$0x1] =	stream.linear.gather [hbm4b:s5+s4], $0xC8, $0x38;
	[tilespmem:$0x2CD8] =	vst v63  }
0x13: {  	_ =	swait.ge [sflag:s10], $0xC8  }
0x14: {  	[sflag:s10] =	ssyncset.done $0x0  }
0x15: {  	[sflag:s10] =	ssyncadd.s32 $0xFFFFFF38  }
0x16: {  	[tilespmem:s12], [sflag:$0x1] =	stream.linear.gather [hbm4b:s2+s4], $0x280, $0x38;
	[tilespmem:$0x2CD8] =	vst v63  }
0x17: {  	_ =	swait.ge [sflag:s10], $0x280  }
0x18: {  	[sflag:s10] =	ssyncset.done $0x0  }
0x19: {  	[sflag:s10] =	ssyncadd.s32 $0xFFFFFD80  }
0x1a: {  	[spmem:s7] =	stream.linear.scatter [tilespmem:s12], [sflag:$0x1], $0x280, $0x38;
	[tilespmem:$0x2CD8] =	vst v63  }
0x1b: {  	_ =	swait.ge [sflag:s10], $0x280  }
0x1c: {  	[sflag:s10] =	ssyncset.done $0x0  }
0x1d: {  	[sflag:s10] =	ssyncadd.s32 $0xFFFFFD80  }
0x1e: {  	s15 =	simm.s32 $0x0;
	[bflag:$0x0] =	sbarrier.arrive $0xFFFF  }
0x1f: {  	[spmem:s3] =	stream.indirect.scatter.add.f32 [tilespmem:s11], [sflag:$0x1], $0x1, s15, s13, $0xb8;
	[tilespmem:$0x2CD8] =	vst v63  }
0x20: {  	_ =	swait.ge [sflag:s10], $0xC8  }
0x21: {  	s15 =	simm.s32 $0x320;
	[sflag:s10] =	ssyncset.done $0x0  }
.LBB2_2:
0x22: {  	s16 =	sshra.s32 s15, $0x2;
	[sflag:s10] =	ssyncadd.s32 $0xFFFFFF38;
	p0 =	sne.s32 s15, $0x9920  }
0x23: {  	[spmem:s3] =	stream.indirect.scatter.add.f32 [tilespmem:s11], [sflag:$0x1], $0x1, s16, s13, $0xb8;
	[tilespmem:$0x2CD8] =	vst v63  }
.Ltmp0:
0x24: {  	_ = 	snop;
	(pc) =	sbr.rel @p0 .LBB2_2-.Ltmp0, $4  }
0x25: {  	_ = 	snop  }
0x26: {  	s15 =	sadd.s32 $0x320, s15  }
0x27: {  	_ =	swait.ge [sflag:s10], $0xC8  }
0x28: {  	[sflag:s10] =	ssyncset.done $0x0  }
0x29: {  	[sflag:s10] =	ssyncadd.s32 $0xFFFFFF38  }
0x2a: {  	[bflag:$0x0] =	sbarrier.arrive $0xFFFF  }
0x2b: {  	[tilespmem:s12], [sflag:$0x1] =	stream.linear.gather [spmem:s7], $0x280, $0x38;
	[tilespmem:$0x2CD8] =	vst v63  }
0x2c: {  	s14 =	sadd.s32 $0x1, s14;
	_ =	swait.ge [sflag:s10], $0x280  }
0x2d: {  	p0 =	sne.s32 s14, s9;
	[sflag:s10] =	ssyncset.done $0x0  }
.Ltmp1:
0x2e: {  	[sflag:s10] =	ssyncadd.s32 $0xFFFFFD80;
	(pc) =	sbr.rel @p0 .LBB2_1-.Ltmp1, $4  }
0x2f: {  	[hbm4b:s8+s4] =	stream.linear.scatter [tilespmem:s12], [sflag:$0x1], $0x280, $0x38;
	[tilespmem:$0x2CD8] =	vst v63  }
0x30: {  	_ =	swait.ge [sflag:s10], $0x280  }
0x31: {  	[sflag:s10] =	ssyncset.done $0x0  }
0x32: {  	[sflag:s10] =	ssyncadd.s32 $0xFFFFFD80  }
0x33: {  	_ =	sfence.sel $0x180000  }
0x34: {  	[bflag:$0x0] =	sbarrier.arrive $0xFFFF  }
0x35: {  	p0 =	sne.s32 s0, $0x0;
	_ =	strace $0x90000047  }
0x36: {  	s0 =	sadd.s32 @!p0 $0x100000, s1;
	[bflag:$0x2] =	sbarrier.arrive $0xFFFF  }
0x37: {  	[sflag:s0] =	ssyncadd.tile.s32 @!p0 $0x1;
	_ =	shalt  }
.Lfunc_end2:
_tile_overlayer_lowered:
.L_overlay_start_2:
0x38: {  	(tag) =	ssettag $0x2  }
0x39: {  	s0 =	rddreg [dreg:$0x0];
	s2 =	stileid.u32  }
0x3a: {  	s1 =	rddreg [dreg:$0x1];
	p0 =	sne.s32 s2, $0x0  }
0x3b: {  	s3 =	rddreg [dreg:$0x2];
	[bflag:$0x3] =	sbarrier.arrive $0xFFFF;
	s2 =	simm.s32 @!p0 $0x1C01  }
0x3c: {  	[timem:s3], [sflag:s2] =	dma.local @!p0 [hbm:s0], s1  }
0x3d: {  	s0 =	simm.s32 @!p0 $0x1  }
0x3e: {  	_ =	swait.ge @!p0 [sflag:s0], s1  }
0x3f: {  	s1 =	ssub.s32 @!p0 $0x0, s1;
	[sflag:s0] =	ssyncset.done @!p0 $0x0  }
0x40: {  	[sflag:s0] =	ssyncadd.s32 @!p0 s1  }
0x41: {  	[bflag:$0x3] =	sbarrier.arrive $0xFFFF  }
0x42: {  	_ =	shalt  }

</sc_bundles>
